<compile_context>
chip_gen: v7x
topology: tpu7x:2x2x1
jax: 0.10.2.dev20260603
libtpu: 0.0.44.dev20260713+nightly
codegen_flags: <defaults>
</compile_context>

<pallas_src>
import jax
import jax.numpy as jnp
from jax import lax
from jax.experimental import pallas as pl
from jax.experimental.pallas import tpu as pltpu
from jax.experimental.pallas import tpu_sc as plsc

_NC = 2
_NS = 16
_NW = _NC * _NS
_LANES = 16

_B = 4096
_E = 64
_H = 50
_V = 1000000
_B_PER_W = _B // _NW
_CH = 2
_CHUNKS = _B_PER_W // _CH
_NBUF = 4
_QS = _E // _LANES

def _gather_sum_body(idx_hbm, table_hbm, out_hbm,
                     raw_v, idx_v, rows_v, outb_v, s0, s1, s2, s3):
    sems = (s0, s1, s2, s3)
    wid = lax.axis_index("s") * _NC + lax.axis_index("c")
    base = pl.multiple_of(wid * _B_PER_W, 8)

    pltpu.sync_copy(idx_hbm.at[pl.ds(base, _B_PER_W)], raw_v)

    def conv(e, carry):
        c = lax.shift_right_logical(e, 1)
        pbase = lax.bitwise_and(e, jnp.int32(1)) * _H
        for col in (0, 16, 32, _H - _LANES):
            v = raw_v[e, pl.ds(col, _LANES)]
            idx_v[c, pl.ds(pbase + col, _LANES)] = v + v
        return carry

    plsc.parallel_loop(0, _B_PER_W, unroll=4, carry=jnp.int32(0))(conv)

    def gather_start(c, b):
        pltpu.async_copy(table_hbm.at[idx_v.at[c]], rows_v.at[b], sems[b])

    def gather_wait(c, b):
        pltpu.make_async_copy(
            table_hbm.at[idx_v.at[c]], rows_v.at[b], sems[b]
        ).wait()

    for b in range(_NBUF):
        gather_start(b, b)

    def reduce_rows(rb, r0):
        zero = jnp.zeros((_LANES,), jnp.float32)
        init = (zero, zero, zero, zero)

        def red(j, acc):
            return tuple(
                acc[q] + rb[r0 + j, pl.ds(q * _LANES, _LANES)]
                for q in range(_QS)
            )

        return plsc.parallel_loop(0, _H, unroll=10, carry=init)(red)

    def t_body(t, carry):
        for b in range(_NBUF):
            c = t * _NBUF + b
            gather_wait(c, b)
            for e in range(_CH):
                acc = reduce_rows(rows_v.at[b], e * _H)
                row = c * _CH + e
                for q in range(_QS):
                    outb_v[row, pl.ds(q * _LANES, _LANES)] = acc[q]
            nc = c + _NBUF

            @pl.when(nc < _CHUNKS)
            def _():
                gather_start(nc, b)

        return carry

    lax.fori_loop(0, _CHUNKS // _NBUF, t_body, 0)

    pltpu.sync_copy(outb_v, out_hbm.at[pl.ds(base, _B_PER_W)])


def _gather_sum(idx, table2):
    k = pl.kernel(
        _gather_sum_body,
        out_type=jax.ShapeDtypeStruct((_B, _E), jnp.float32),
        mesh=plsc.VectorSubcoreMesh(
            core_axis_name="c", subcore_axis_name="s",
            num_cores=_NC, num_subcores=_NS,
        ),
        scratch_types=[
            pltpu.VMEM((_B_PER_W, _H), jnp.int32),
            pltpu.VMEM((_CHUNKS, _CH * _H), jnp.int32),
            pltpu.VMEM((_NBUF, _CH * _H, _E), jnp.float32),
            pltpu.VMEM((_B_PER_W, _E), jnp.float32),
            pltpu.SemaphoreType.DMA,
            pltpu.SemaphoreType.DMA,
            pltpu.SemaphoreType.DMA,
            pltpu.SemaphoreType.DMA,
        ],
        compiler_params=pltpu.CompilerParams(use_tc_tiling_on_sc=False),
    )
    return k(idx, table2)


def _proj_body(x_ref, w_ref, b_ref, o_ref):
    x = jnp.maximum(x_ref[...], 0.0)
    o_ref[...] = (
        lax.dot_general(
            w_ref[...], x,
            dimension_numbers=(((1,), (1,)), ((), ())),
            preferred_element_type=jnp.float32,
        )
        + b_ref[...]
    )


def _proj_t(x, W, bcol):
    B, E = x.shape
    T = W.shape[0]
    blk = 512
    return pl.pallas_call(
        _proj_body,
        grid=(B // blk,),
        in_specs=[
            pl.BlockSpec((blk, E), lambda i: (i, 0)),
            pl.BlockSpec((T, E), lambda i: (0, 0)),
            pl.BlockSpec((T, 1), lambda i: (0, 0)),
        ],
        out_specs=pl.BlockSpec((T, blk), lambda i: (0, i)),
        out_shape=jax.ShapeDtypeStruct((T, B), jnp.float32),
    )(x, W, bcol)


def kernel(input_text, table, W, b):
    table2 = jnp.pad(table, ((0, 0), (0, _E))).reshape(2 * _V, _E)
    sums = _gather_sum(input_text, table2)
    out_t = _proj_t(sums, W, b.reshape(-1, 1))
    return out_t.T

# --- scband reference (transcript-rebuilt; emitter-appended) ---
"""Pipeline reference for scband-cbow-481036337422 (READ-ONLY COPY).

The authoritative reference and input builder live on the scoring server;
editing this copy changes nothing except your own understanding.
"""

import jax, jax.numpy as jnp
import numpy as np

VOCAB = 1000000
EMBED = 64
TARGET = 1000
BATCH = 4096
HIST = 50

def setup_inputs(seed: int = 0) -> dict:
    key = jax.random.key(seed)
    k1, k2, k3, k4 = jax.random.split(key, 4)
    input_text = jax.random.randint(k1, (BATCH, HIST), 0, VOCAB, dtype=jnp.int64 if jax.config.jax_enable_x64 else jnp.int32).astype(jnp.int32)
    table = jax.random.normal(k2, (VOCAB, EMBED), dtype=jnp.float32) * 0.02
    table = table.at[0].set(0.0)  # padding_idx=0
    W = jax.random.normal(k3, (TARGET, EMBED), dtype=jnp.float32) * (1.0 / np.sqrt(EMBED))
    b = jax.random.normal(k4, (TARGET,), dtype=jnp.float32) * 0.01
    return {"input_text": input_text, "table": table, "W": W, "b": b}

def reference(input_text, table, W, b):
    # input_text.view(B, -1)
    idx = input_text.reshape(input_text.shape[0], -1)
    # embedding lookup (gather)
    x = jnp.take(table, idx, axis=0)  # [B, L, E]
    # sum over sequence dim
    x = jnp.sum(x, axis=1)  # [B, E]
    # proj(relu(x))
    x = jax.nn.relu(x)
    out = x @ W.T + b  # [B, TARGET]
    return out

if __name__ == "__main__":
    import jax
    _d = setup_inputs()
    print(jax.jit(kernel)(*tuple(_d.values())))

</pallas_src>

<mosaic_0001>
#map = affine_map<(d0, d1) -> (0, 0)>
module attributes {stable_mosaic.version = 14 : i64} {
  func.func @_gather_sum_body(%arg0: i32, %arg1: i32, %arg2: memref<4096x50xi32, #tpu.memory_space<hbm>>, %arg3: memref<2000000x64xf32, #tpu.memory_space<hbm>>, %arg4: memref<4096x64xf32, #tpu.memory_space<hbm>>, %arg5: memref<128x50xi32, #tpu.memory_space<vmem>>, %arg6: memref<64x100xi32, #tpu.memory_space<vmem>>, %arg7: memref<4x100x64xf32, #tpu.memory_space<vmem>>, %arg8: memref<128x64xf32, #tpu.memory_space<vmem>>, %arg9: memref<!tpu.dma_semaphore, #tpu.memory_space<semaphore_mem>>, %arg10: memref<!tpu.dma_semaphore, #tpu.memory_space<semaphore_mem>>, %arg11: memref<!tpu.dma_semaphore, #tpu.memory_space<semaphore_mem>>, %arg12: memref<!tpu.dma_semaphore, #tpu.memory_space<semaphore_mem>>) attributes {dimension_semantics = [#tpu.dimension_semantics<core_parallel>, #tpu.dimension_semantics<subcore_parallel>], iteration_bounds = array<i64: 2, 16>, scalar_prefetch = 0 : i64, scratch_operands = 8 : i64, tpu.core_type = #tpu.core_type<sc_vector_subcore>, window_params = [{transform_indices = #map}, {transform_indices = #map}, {transform_indices = #map}]} {
    %mul3A = arith.constant 2 : i32
    %mul3A_0 = arith.muli %arg1, %mul3A : i32
    %add3A = arith.addi %mul3A_0, %arg0 : i32
    %mul3A_1 = arith.constant 128 : i32
    %mul3A_2 = arith.muli %add3A, %mul3A_1 : i32
    %multiple_of3A = tpu.assume_multiple %mul3A_2, 8 : i32
    "tpu.region"() ({
      %run_scoped3A = tpu.sem_alloc : memref<!tpu.dma_semaphore, #tpu.memory_space<semaphore_mem>>
      %dma_start3A_59 = arith.constant 0 : i32
      %dma_start3A_60 = tpu.memref_slice %arg2[%multiple_of3A, %dma_start3A_59] : memref<4096x50xi32, #tpu.memory_space<hbm>> -> memref<128x50xi32, #tpu.memory_space<hbm>>
      %dma_start3A_61 = arith.constant 0 : i32
      %dma_start3A_62 = tpu.memref_slice %arg2[%multiple_of3A, %dma_start3A_61] : memref<4096x50xi32, #tpu.memory_space<hbm>> -> memref<128x50xi32, #tpu.memory_space<hbm>>
      tpu.enqueue_dma source(%dma_start3A_62 : memref<128x50xi32, #tpu.memory_space<hbm>>) target(%arg5 : memref<128x50xi32, #tpu.memory_space<vmem>>) target_semaphore(%run_scoped3A : memref<!tpu.dma_semaphore, #tpu.memory_space<semaphore_mem>>)
      %dma_wait3A = arith.constant 0 : i32
      %dma_wait3A_63 = tpu.memref_slice %arg2[%multiple_of3A, %dma_wait3A] : memref<4096x50xi32, #tpu.memory_space<hbm>> -> memref<128x50xi32, #tpu.memory_space<hbm>>
      %dma_wait3A_64 = arith.constant 0 : i32
      %dma_wait3A_65 = tpu.memref_slice %arg2[%multiple_of3A, %dma_wait3A_64] : memref<4096x50xi32, #tpu.memory_space<hbm>> -> memref<128x50xi32, #tpu.memory_space<hbm>>
      tpu.wait_dma2 semaphore(%run_scoped3A : memref<!tpu.dma_semaphore, #tpu.memory_space<semaphore_mem>>) src(%dma_wait3A_65 : memref<128x50xi32, #tpu.memory_space<hbm>>) dst(%arg5 : memref<128x50xi32, #tpu.memory_space<vmem>>)
      tpu.yield
    }) : () -> ()
    %parallel_loop3A = arith.constant 0 : i32
    %parallel_loop3A_3 = arith.constant 128 : i32
    %parallel_loop3A_4 = arith.constant 1 : i32
    %parallel_loop3A_5 = arith.constant 0 : i32
    %parallel_loop3A_6 = scf.for %parallel_loop3A_59 = %parallel_loop3A to %parallel_loop3A_3 step %parallel_loop3A_4 iter_args(%parallel_loop3A_60 = %parallel_loop3A_5) -> (i32)  : i32 {
      %parallel_loop3A_61 = arith.constant 1 : i32
      %parallel_loop3A_62 = arith.shrui %parallel_loop3A_59, %parallel_loop3A_61 : i32
      %parallel_loop3A_63 = arith.constant 1 : i32
      %parallel_loop3A_64 = arith.andi %parallel_loop3A_59, %parallel_loop3A_63 : i32
      %parallel_loop3A_65 = arith.constant 50 : i32
      %parallel_loop3A_66 = arith.muli %parallel_loop3A_64, %parallel_loop3A_65 : i32
      %parallel_loop3A_67 = arith.index_cast %parallel_loop3A_59 : i32 to index
      %parallel_loop3A_68 = arith.constant 0 : index
      %parallel_loop3A_69 = tpu.vector_load %arg5[%parallel_loop3A_67, %parallel_loop3A_68] {strides = array<i32>} : memref<128x50xi32, #tpu.memory_space<vmem>>, vector<1x16xi32>,
      %parallel_loop3A_70 = vector.shape_cast %parallel_loop3A_69 : vector<1x16xi32> to vector<16xi32>
      %parallel_loop3A_71 = arith.addi %parallel_loop3A_70, %parallel_loop3A_70 : vector<16xi32>
      %parallel_loop3A_72 = arith.constant 0 : i32
      %parallel_loop3A_73 = arith.addi %parallel_loop3A_66, %parallel_loop3A_72 : i32
      %parallel_loop3A_74 = arith.index_cast %parallel_loop3A_62 : i32 to index
      %parallel_loop3A_75 = arith.index_cast %parallel_loop3A_73 : i32 to index
      %parallel_loop3A_76 = tpu.vector_load %arg6[%parallel_loop3A_74, %parallel_loop3A_75] {strides = array<i32>} : memref<64x100xi32, #tpu.memory_space<vmem>>, vector<1x16xi32>,
      %parallel_loop3A_77 = vector.shape_cast %parallel_loop3A_76 : vector<1x16xi32> to vector<16xi32>
      %parallel_loop3A_78 = vector.shape_cast %parallel_loop3A_71 : vector<16xi32> to vector<1x16xi32>
      tpu.vector_store %arg6[%parallel_loop3A_74, %parallel_loop3A_75], %parallel_loop3A_78 {strides = array<i32>} : memref<64x100xi32, #tpu.memory_space<vmem>>, vector<1x16xi32>,
      %parallel_loop3A_79 = arith.index_cast %parallel_loop3A_59 : i32 to index
      %parallel_loop3A_80 = arith.constant 16 : index
      %parallel_loop3A_81 = tpu.vector_load %arg5[%parallel_loop3A_79, %parallel_loop3A_80] {strides = array<i32>} : memref<128x50xi32, #tpu.memory_space<vmem>>, vector<1x16xi32>,
      %parallel_loop3A_82 = vector.shape_cast %parallel_loop3A_81 : vector<1x16xi32> to vector<16xi32>
      %parallel_loop3A_83 = arith.addi %parallel_loop3A_82, %parallel_loop3A_82 : vector<16xi32>
      %parallel_loop3A_84 = arith.constant 16 : i32
      %parallel_loop3A_85 = arith.addi %parallel_loop3A_66, %parallel_loop3A_84 : i32
      %parallel_loop3A_86 = arith.index_cast %parallel_loop3A_62 : i32 to index
      %parallel_loop3A_87 = arith.index_cast %parallel_loop3A_85 : i32 to index
      %parallel_loop3A_88 = tpu.vector_load %arg6[%parallel_loop3A_86, %parallel_loop3A_87] {strides = array<i32>} : memref<64x100xi32, #tpu.memory_space<vmem>>, vector<1x16xi32>,
      %parallel_loop3A_89 = vector.shape_cast %parallel_loop3A_88 : vector<1x16xi32> to vector<16xi32>
      %parallel_loop3A_90 = vector.shape_cast %parallel_loop3A_83 : vector<16xi32> to vector<1x16xi32>
      tpu.vector_store %arg6[%parallel_loop3A_86, %parallel_loop3A_87], %parallel_loop3A_90 {strides = array<i32>} : memref<64x100xi32, #tpu.memory_space<vmem>>, vector<1x16xi32>,
      %parallel_loop3A_91 = arith.index_cast %parallel_loop3A_59 : i32 to index
      %parallel_loop3A_92 = arith.constant 32 : index
      %parallel_loop3A_93 = tpu.vector_load %arg5[%parallel_loop3A_91, %parallel_loop3A_92] {strides = array<i32>} : memref<128x50xi32, #tpu.memory_space<vmem>>, vector<1x16xi32>,
      %parallel_loop3A_94 = vector.shape_cast %parallel_loop3A_93 : vector<1x16xi32> to vector<16xi32>
      %parallel_loop3A_95 = arith.addi %parallel_loop3A_94, %parallel_loop3A_94 : vector<16xi32>
      %parallel_loop3A_96 = arith.constant 32 : i32
      %parallel_loop3A_97 = arith.addi %parallel_loop3A_66, %parallel_loop3A_96 : i32
      %parallel_loop3A_98 = arith.index_cast %parallel_loop3A_62 : i32 to index
      %parallel_loop3A_99 = arith.index_cast %parallel_loop3A_97 : i32 to index
      %parallel_loop3A_100 = tpu.vector_load %arg6[%parallel_loop3A_98, %parallel_loop3A_99] {strides = array<i32>} : memref<64x100xi32, #tpu.memory_space<vmem>>, vector<1x16xi32>,
      %parallel_loop3A_101 = vector.shape_cast %parallel_loop3A_100 : vector<1x16xi32> to vector<16xi32>
      %parallel_loop3A_102 = vector.shape_cast %parallel_loop3A_95 : vector<16xi32> to vector<1x16xi32>
      tpu.vector_store %arg6[%parallel_loop3A_98, %parallel_loop3A_99], %parallel_loop3A_102 {strides = array<i32>} : memref<64x100xi32, #tpu.memory_space<vmem>>, vector<1x16xi32>,
      %parallel_loop3A_103 = arith.index_cast %parallel_loop3A_59 : i32 to index
      %parallel_loop3A_104 = arith.constant 34 : index
      %parallel_loop3A_105 = tpu.vector_load %arg5[%parallel_loop3A_103, %parallel_loop3A_104] {strides = array<i32>} : memref<128x50xi32, #tpu.memory_space<vmem>>, vector<1x16xi32>,
      %parallel_loop3A_106 = vector.shape_cast %parallel_loop3A_105 : vector<1x16xi32> to vector<16xi32>
      %parallel_loop3A_107 = arith.addi %parallel_loop3A_106, %parallel_loop3A_106 : vector<16xi32>
      %parallel_loop3A_108 = arith.constant 34 : i32
      %parallel_loop3A_109 = arith.addi %parallel_loop3A_66, %parallel_loop3A_108 : i32
      %parallel_loop3A_110 = arith.index_cast %parallel_loop3A_62 : i32 to index
      %parallel_loop3A_111 = arith.index_cast %parallel_loop3A_109 : i32 to index
      %parallel_loop3A_112 = tpu.vector_load %arg6[%parallel_loop3A_110, %parallel_loop3A_111] {strides = array<i32>} : memref<64x100xi32, #tpu.memory_space<vmem>>, vector<1x16xi32>,
      %parallel_loop3A_113 = vector.shape_cast %parallel_loop3A_112 : vector<1x16xi32> to vector<16xi32>
      %parallel_loop3A_114 = vector.shape_cast %parallel_loop3A_107 : vector<16xi32> to vector<1x16xi32>
      tpu.vector_store %arg6[%parallel_loop3A_110, %parallel_loop3A_111], %parallel_loop3A_114 {strides = array<i32>} : memref<64x100xi32, #tpu.memory_space<vmem>>, vector<1x16xi32>,
      scf.yield %parallel_loop3A_60 : i32
    } {sc.loop_unroll_factor = 4 : i64, sc.parallel_access}
    %dma_start3A = arith.constant 0 : i32
    %dma_start3A_7 = arith.constant 0 : i32
    %dma_start3A_8 = arith.constant 0 : i32
    %dma_start3A_9 = arith.constant 0 : i32
    %dma_start3A_10 = tpu.memref_slice %arg7[%dma_start3A_7, %dma_start3A_8, %dma_start3A_9] : memref<4x100x64xf32, #tpu.memory_space<vmem>> -> memref<1x100x64xf32, #tpu.memory_space<vmem>>
    %dma_start3A_11 = tpu.memref_squeeze %dma_start3A_10 : memref<1x100x64xf32, #tpu.memory_space<vmem>> -> memref<100x64xf32, #tpu.memory_space<vmem>>
    %dma_start3A_12 = arith.constant 0 : i32
    %dma_start3A_13 = tpu.memref_slice %arg6[%dma_start3A, %dma_start3A_12] : memref<64x100xi32, #tpu.memory_space<vmem>> -> memref<1x100xi32, #tpu.memory_space<vmem>>
    %dma_start3A_14 = tpu.memref_squeeze %dma_start3A_13 : memref<1x100xi32, #tpu.memory_space<vmem>> -> memref<100xi32, #tpu.memory_space<vmem>>
    %dma_start3A_15 = arith.constant 0 : i32
    %dma_start3A_16 = arith.constant 0 : i32
    %dma_start3A_17 = tpu.memref_slice %arg3[%dma_start3A_15, %dma_start3A_16] : memref<2000000x64xf32, #tpu.memory_space<hbm>> -> memref<2000000x64xf32, #tpu.memory_space<hbm>>
    tpu.enqueue_indirect_dma source(%dma_start3A_17 : memref<2000000x64xf32, #tpu.memory_space<hbm>>) target(%dma_start3A_11 : memref<100x64xf32, #tpu.memory_space<vmem>>) offsets(%dma_start3A_14 : memref<100xi32, #tpu.memory_space<vmem>>) semaphore(%arg9 : memref<!tpu.dma_semaphore, #tpu.memory_space<semaphore_mem>>)
    %dma_start3A_18 = arith.constant 1 : i32
    %dma_start3A_19 = arith.constant 1 : i32
    %dma_start3A_20 = arith.constant 0 : i32
    %dma_start3A_21 = arith.constant 0 : i32
    %dma_start3A_22 = tpu.memref_slice %arg7[%dma_start3A_19, %dma_start3A_20, %dma_start3A_21] : memref<4x100x64xf32, #tpu.memory_space<vmem>> -> memref<1x100x64xf32, #tpu.memory_space<vmem>>
    %dma_start3A_23 = tpu.memref_squeeze %dma_start3A_22 : memref<1x100x64xf32, #tpu.memory_space<vmem>> -> memref<100x64xf32, #tpu.memory_space<vmem>>
    %dma_start3A_24 = arith.constant 0 : i32
    %dma_start3A_25 = tpu.memref_slice %arg6[%dma_start3A_18, %dma_start3A_24] : memref<64x100xi32, #tpu.memory_space<vmem>> -> memref<1x100xi32, #tpu.memory_space<vmem>>
    %dma_start3A_26 = tpu.memref_squeeze %dma_start3A_25 : memref<1x100xi32, #tpu.memory_space<vmem>> -> memref<100xi32, #tpu.memory_space<vmem>>
    %dma_start3A_27 = arith.constant 0 : i32
    %dma_start3A_28 = arith.constant 0 : i32
    %dma_start3A_29 = tpu.memref_slice %arg3[%dma_start3A_27, %dma_start3A_28] : memref<2000000x64xf32, #tpu.memory_space<hbm>> -> memref<2000000x64xf32, #tpu.memory_space<hbm>>
    tpu.enqueue_indirect_dma source(%dma_start3A_29 : memref<2000000x64xf32, #tpu.memory_space<hbm>>) target(%dma_start3A_23 : memref<100x64xf32, #tpu.memory_space<vmem>>) offsets(%dma_start3A_26 : memref<100xi32, #tpu.memory_space<vmem>>) semaphore(%arg10 : memref<!tpu.dma_semaphore, #tpu.memory_space<semaphore_mem>>)
    %dma_start3A_30 = arith.constant 2 : i32
    %dma_start3A_31 = arith.constant 2 : i32
    %dma_start3A_32 = arith.constant 0 : i32
    %dma_start3A_33 = arith.constant 0 : i32
    %dma_start3A_34 = tpu.memref_slice %arg7[%dma_start3A_31, %dma_start3A_32, %dma_start3A_33] : memref<4x100x64xf32, #tpu.memory_space<vmem>> -> memref<1x100x64xf32, #tpu.memory_space<vmem>>
    %dma_start3A_35 = tpu.memref_squeeze %dma_start3A_34 : memref<1x100x64xf32, #tpu.memory_space<vmem>> -> memref<100x64xf32, #tpu.memory_space<vmem>>
    %dma_start3A_36 = arith.constant 0 : i32
    %dma_start3A_37 = tpu.memref_slice %arg6[%dma_start3A_30, %dma_start3A_36] : memref<64x100xi32, #tpu.memory_space<vmem>> -> memref<1x100xi32, #tpu.memory_space<vmem>>
    %dma_start3A_38 = tpu.memref_squeeze %dma_start3A_37 : memref<1x100xi32, #tpu.memory_space<vmem>> -> memref<100xi32, #tpu.memory_space<vmem>>
    %dma_start3A_39 = arith.constant 0 : i32
    %dma_start3A_40 = arith.constant 0 : i32
    %dma_start3A_41 = tpu.memref_slice %arg3[%dma_start3A_39, %dma_start3A_40] : memref<2000000x64xf32, #tpu.memory_space<hbm>> -> memref<2000000x64xf32, #tpu.memory_space<hbm>>
    tpu.enqueue_indirect_dma source(%dma_start3A_41 : memref<2000000x64xf32, #tpu.memory_space<hbm>>) target(%dma_start3A_35 : memref<100x64xf32, #tpu.memory_space<vmem>>) offsets(%dma_start3A_38 : memref<100xi32, #tpu.memory_space<vmem>>) semaphore(%arg11 : memref<!tpu.dma_semaphore, #tpu.memory_space<semaphore_mem>>)
    %dma_start3A_42 = arith.constant 3 : i32
    %dma_start3A_43 = arith.constant 3 : i32
    %dma_start3A_44 = arith.constant 0 : i32
    %dma_start3A_45 = arith.constant 0 : i32
    %dma_start3A_46 = tpu.memref_slice %arg7[%dma_start3A_43, %dma_start3A_44, %dma_start3A_45] : memref<4x100x64xf32, #tpu.memory_space<vmem>> -> memref<1x100x64xf32, #tpu.memory_space<vmem>>
    %dma_start3A_47 = tpu.memref_squeeze %dma_start3A_46 : memref<1x100x64xf32, #tpu.memory_space<vmem>> -> memref<100x64xf32, #tpu.memory_space<vmem>>
    %dma_start3A_48 = arith.constant 0 : i32
    %dma_start3A_49 = tpu.memref_slice %arg6[%dma_start3A_42, %dma_start3A_48] : memref<64x100xi32, #tpu.memory_space<vmem>> -> memref<1x100xi32, #tpu.memory_space<vmem>>
    %dma_start3A_50 = tpu.memref_squeeze %dma_start3A_49 : memref<1x100xi32, #tpu.memory_space<vmem>> -> memref<100xi32, #tpu.memory_space<vmem>>
    %dma_start3A_51 = arith.constant 0 : i32
    %dma_start3A_52 = arith.constant 0 : i32
    %dma_start3A_53 = tpu.memref_slice %arg3[%dma_start3A_51, %dma_start3A_52] : memref<2000000x64xf32, #tpu.memory_space<hbm>> -> memref<2000000x64xf32, #tpu.memory_space<hbm>>
    tpu.enqueue_indirect_dma source(%dma_start3A_53 : memref<2000000x64xf32, #tpu.memory_space<hbm>>) target(%dma_start3A_47 : memref<100x64xf32, #tpu.memory_space<vmem>>) offsets(%dma_start3A_50 : memref<100xi32, #tpu.memory_space<vmem>>) semaphore(%arg12 : memref<!tpu.dma_semaphore, #tpu.memory_space<semaphore_mem>>)
    %scan3A = arith.constant 0 : i32
    %scan3A_54 = arith.constant 0 : i32
    %scan3A_55 = arith.constant 16 : i32
    %scan3A_56 = arith.addi %scan3A_54, %scan3A_55 : i32
    %scan3A_57 = arith.constant 1 : i32
    scf.for %scan3A_59 = %scan3A_54 to %scan3A_56 step %scan3A_57  : i32 {
      %mul3A_60 = arith.constant 4 : i32
      %mul3A_61 = arith.muli %scan3A_59, %mul3A_60 : i32
      %add3A_62 = arith.constant 0 : i32
      %add3A_63 = arith.addi %mul3A_61, %add3A_62 : i32
      %dma_wait3A = arith.constant 0 : i32
      %dma_wait3A_64 = arith.constant 0 : i32
      %dma_wait3A_65 = arith.constant 0 : i32
      %dma_wait3A_66 = tpu.memref_slice %arg7[%dma_wait3A, %dma_wait3A_64, %dma_wait3A_65] : memref<4x100x64xf32, #tpu.memory_space<vmem>> -> memref<1x100x64xf32, #tpu.memory_space<vmem>>
      %dma_wait3A_67 = tpu.memref_squeeze %dma_wait3A_66 : memref<1x100x64xf32, #tpu.memory_space<vmem>> -> memref<100x64xf32, #tpu.memory_space<vmem>>
      %dma_wait3A_68 = arith.constant 0 : i32
      %dma_wait3A_69 = tpu.memref_slice %arg6[%add3A_63, %dma_wait3A_68] : memref<64x100xi32, #tpu.memory_space<vmem>> -> memref<1x100xi32, #tpu.memory_space<vmem>>
      %dma_wait3A_70 = tpu.memref_squeeze %dma_wait3A_69 : memref<1x100xi32, #tpu.memory_space<vmem>> -> memref<100xi32, #tpu.memory_space<vmem>>
      %dma_wait3A_71 = arith.constant 0 : i32
      %dma_wait3A_72 = arith.constant 0 : i32
      %dma_wait3A_73 = tpu.memref_slice %arg3[%dma_wait3A_71, %dma_wait3A_72] : memref<2000000x64xf32, #tpu.memory_space<hbm>> -> memref<2000000x64xf32, #tpu.memory_space<hbm>>
      tpu.wait_indirect_dma semaphore(%arg9 : memref<!tpu.dma_semaphore, #tpu.memory_space<semaphore_mem>>) src(%dma_wait3A_73 : memref<2000000x64xf32, #tpu.memory_space<hbm>>) dst(%dma_wait3A_67 : memref<100x64xf32, #tpu.memory_space<vmem>>)
      %broadcast_in_dim3A = arith.constant 0.000000e+00 : f32
      %broadcast_in_dim3A_74 = vector.broadcast %broadcast_in_dim3A : f32 to vector<16xf32>
      %parallel_loop3A_75 = arith.constant 0 : i32
      %parallel_loop3A_76 = arith.constant 50 : i32
      %parallel_loop3A_77 = arith.constant 1 : i32
      %parallel_loop3A_78 = arith.constant 0 : i32
      %parallel_loop3A_79:4 = scf.for %parallel_loop3A_390 = %parallel_loop3A_75 to %parallel_loop3A_76 step %parallel_loop3A_77 iter_args(%parallel_loop3A_391 = %broadcast_in_dim3A_74, %parallel_loop3A_392 = %broadcast_in_dim3A_74, %parallel_loop3A_393 = %broadcast_in_dim3A_74, %parallel_loop3A_394 = %broadcast_in_dim3A_74) -> (vector<16xf32>, vector<16xf32>, vector<16xf32>, vector<16xf32>)  : i32 {
        %parallel_loop3A_395 = arith.constant 0 : i32
        %parallel_loop3A_396 = arith.addi %parallel_loop3A_395, %parallel_loop3A_390 : i32
        %parallel_loop3A_397 = arith.constant 0 : i32
        %parallel_loop3A_398 = arith.constant 0 : i32
        %parallel_loop3A_399 = tpu.memref_slice %arg7[%parallel_loop3A_78, %parallel_loop3A_397, %parallel_loop3A_398] : memref<4x100x64xf32, #tpu.memory_space<vmem>> -> memref<1x100x64xf32, #tpu.memory_space<vmem>>
        %parallel_loop3A_400 = tpu.memref_squeeze %parallel_loop3A_399 : memref<1x100x64xf32, #tpu.memory_space<vmem>> -> memref<100x64xf32, #tpu.memory_space<vmem>>
        %parallel_loop3A_401 = arith.index_cast %parallel_loop3A_396 : i32 to index
        %parallel_loop3A_402 = arith.constant 0 : index
        %parallel_loop3A_403 = tpu.vector_load %parallel_loop3A_400[%parallel_loop3A_401, %parallel_loop3A_402] {strides = array<i32>} : memref<100x64xf32, #tpu.memory_space<vmem>>, vector<1x16xf32>,
        %parallel_loop3A_404 = vector.shape_cast %parallel_loop3A_403 : vector<1x16xf32> to vector<16xf32>
        %parallel_loop3A_405 = arith.addf %parallel_loop3A_391, %parallel_loop3A_404 : vector<16xf32>
        %parallel_loop3A_406 = arith.constant 0 : i32
        %parallel_loop3A_407 = arith.addi %parallel_loop3A_406, %parallel_loop3A_390 : i32
        %parallel_loop3A_408 = arith.constant 0 : i32
        %parallel_loop3A_409 = arith.constant 0 : i32
        %parallel_loop3A_410 = tpu.memref_slice %arg7[%parallel_loop3A_78, %parallel_loop3A_408, %parallel_loop3A_409] : memref<4x100x64xf32, #tpu.memory_space<vmem>> -> memref<1x100x64xf32, #tpu.memory_space<vmem>>
        %parallel_loop3A_411 = tpu.memref_squeeze %parallel_loop3A_410 : memref<1x100x64xf32, #tpu.memory_space<vmem>> -> memref<100x64xf32, #tpu.memory_space<vmem>>
        %parallel_loop3A_412 = arith.index_cast %parallel_loop3A_407 : i32 to index
        %parallel_loop3A_413 = arith.constant 16 : index
        %parallel_loop3A_414 = tpu.vector_load %parallel_loop3A_411[%parallel_loop3A_412, %parallel_loop3A_413] {strides = array<i32>} : memref<100x64xf32, #tpu.memory_space<vmem>>, vector<1x16xf32>,
        %parallel_loop3A_415 = vector.shape_cast %parallel_loop3A_414 : vector<1x16xf32> to vector<16xf32>
        %parallel_loop3A_416 = arith.addf %parallel_loop3A_392, %parallel_loop3A_415 : vector<16xf32>
        %parallel_loop3A_417 = arith.constant 0 : i32
        %parallel_loop3A_418 = arith.addi %parallel_loop3A_417, %parallel_loop3A_390 : i32
        %parallel_loop3A_419 = arith.constant 0 : i32
        %parallel_loop3A_420 = arith.constant 0 : i32
        %parallel_loop3A_421 = tpu.memref_slice %arg7[%parallel_loop3A_78, %parallel_loop3A_419, %parallel_loop3A_420] : memref<4x100x64xf32, #tpu.memory_space<vmem>> -> memref<1x100x64xf32, #tpu.memory_space<vmem>>
        %parallel_loop3A_422 = tpu.memref_squeeze %parallel_loop3A_421 : memref<1x100x64xf32, #tpu.memory_space<vmem>> -> memref<100x64xf32, #tpu.memory_space<vmem>>
        %parallel_loop3A_423 = arith.index_cast %parallel_loop3A_418 : i32 to index
        %parallel_loop3A_424 = arith.constant 32 : index
        %parallel_loop3A_425 = tpu.vector_load %parallel_loop3A_422[%parallel_loop3A_423, %parallel_loop3A_424] {strides = array<i32>} : memref<100x64xf32, #tpu.memory_space<vmem>>, vector<1x16xf32>,
        %parallel_loop3A_426 = vector.shape_cast %parallel_loop3A_425 : vector<1x16xf32> to vector<16xf32>
        %parallel_loop3A_427 = arith.addf %parallel_loop3A_393, %parallel_loop3A_426 : vector<16xf32>
        %parallel_loop3A_428 = arith.constant 0 : i32
        %parallel_loop3A_429 = arith.addi %parallel_loop3A_428, %parallel_loop3A_390 : i32
        %parallel_loop3A_430 = arith.constant 0 : i32
        %parallel_loop3A_431 = arith.constant 0 : i32
        %parallel_loop3A_432 = tpu.memref_slice %arg7[%parallel_loop3A_78, %parallel_loop3A_430, %parallel_loop3A_431] : memref<4x100x64xf32, #tpu.memory_space<vmem>> -> memref<1x100x64xf32, #tpu.memory_space<vmem>>
        %parallel_loop3A_433 = tpu.memref_squeeze %parallel_loop3A_432 : memref<1x100x64xf32, #tpu.memory_space<vmem>> -> memref<100x64xf32, #tpu.memory_space<vmem>>
        %parallel_loop3A_434 = arith.index_cast %parallel_loop3A_429 : i32 to index
        %parallel_loop3A_435 = arith.constant 48 : index
        %parallel_loop3A_436 = tpu.vector_load %parallel_loop3A_433[%parallel_loop3A_434, %parallel_loop3A_435] {strides = array<i32>} : memref<100x64xf32, #tpu.memory_space<vmem>>, vector<1x16xf32>,
        %parallel_loop3A_437 = vector.shape_cast %parallel_loop3A_436 : vector<1x16xf32> to vector<16xf32>
        %parallel_loop3A_438 = arith.addf %parallel_loop3A_394, %parallel_loop3A_437 : vector<16xf32>
        scf.yield %parallel_loop3A_405, %parallel_loop3A_416, %parallel_loop3A_427, %parallel_loop3A_438 : vector<16xf32>, vector<16xf32>, vector<16xf32>, vector<16xf32>
      } {sc.loop_unroll_factor = 10 : i64, sc.parallel_access}
      %mul3A_80 = arith.constant 2 : i32
      %mul3A_81 = arith.muli %add3A_63, %mul3A_80 : i32
      %add3A_82 = arith.constant 0 : i32
      %add3A_83 = arith.addi %mul3A_81, %add3A_82 : i32
      %swap3A = arith.index_cast %add3A_83 : i32 to index
      %swap3A_84 = arith.constant 0 : index
      %swap3A_85 = tpu.vector_load %arg8[%swap3A, %swap3A_84] {strides = array<i32>} : memref<128x64xf32, #tpu.memory_space<vmem>>, vector<1x16xf32>,
      %swap3A_86 = vector.shape_cast %swap3A_85 : vector<1x16xf32> to vector<16xf32>
      %swap3A_87 = vector.shape_cast %parallel_loop3A_79#0 : vector<16xf32> to vector<1x16xf32>
      tpu.vector_store %arg8[%swap3A, %swap3A_84], %swap3A_87 {strides = array<i32>} : memref<128x64xf32, #tpu.memory_space<vmem>>, vector<1x16xf32>,
      %swap3A_88 = arith.index_cast %add3A_83 : i32 to index
      %swap3A_89 = arith.constant 16 : index
      %swap3A_90 = tpu.vector_load %arg8[%swap3A_88, %swap3A_89] {strides = array<i32>} : memref<128x64xf32, #tpu.memory_space<vmem>>, vector<1x16xf32>,
      %swap3A_91 = vector.shape_cast %swap3A_90 : vector<1x16xf32> to vector<16xf32>
      %swap3A_92 = vector.shape_cast %parallel_loop3A_79#1 : vector<16xf32> to vector<1x16xf32>
      tpu.vector_store %arg8[%swap3A_88, %swap3A_89], %swap3A_92 {strides = array<i32>} : memref<128x64xf32, #tpu.memory_space<vmem>>, vector<1x16xf32>,
      %swap3A_93 = arith.index_cast %add3A_83 : i32 to index
      %swap3A_94 = arith.constant 32 : index
      %swap3A_95 = tpu.vector_load %arg8[%swap3A_93, %swap3A_94] {strides = array<i32>} : memref<128x64xf32, #tpu.memory_space<vmem>>, vector<1x16xf32>,
      %swap3A_96 = vector.shape_cast %swap3A_95 : vector<1x16xf32> to vector<16xf32>
      %swap3A_97 = vector.shape_cast %parallel_loop3A_79#2 : vector<16xf32> to vector<1x16xf32>
      tpu.vector_store %arg8[%swap3A_93, %swap3A_94], %swap3A_97 {strides = array<i32>} : memref<128x64xf32, #tpu.memory_space<vmem>>, vector<1x16xf32>,
      %swap3A_98 = arith.index_cast %add3A_83 : i32 to index
      %swap3A_99 = arith.constant 48 : index
      %swap3A_100 = tpu.vector_load %arg8[%swap3A_98, %swap3A_99] {strides = array<i32>} : memref<128x64xf32, #tpu.memory_space<vmem>>, vector<1x16xf32>,
      %swap3A_101 = vector.shape_cast %swap3A_100 : vector<1x16xf32> to vector<16xf32>
      %swap3A_102 = vector.shape_cast %parallel_loop3A_79#3 : vector<16xf32> to vector<1x16xf32>
      tpu.vector_store %arg8[%swap3A_98, %swap3A_99], %swap3A_102 {strides = array<i32>} : memref<128x64xf32, #tpu.memory_space<vmem>>, vector<1x16xf32>,
      %broadcast_in_dim3A_103 = arith.constant 0.000000e+00 : f32
      %broadcast_in_dim3A_104 = vector.broadcast %broadcast_in_dim3A_103 : f32 to vector<16xf32>
      %parallel_loop3A_105 = arith.constant 0 : i32
      %parallel_loop3A_106 = arith.constant 50 : i32
      %parallel_loop3A_107 = arith.constant 1 : i32
      %parallel_loop3A_108 = arith.constant 0 : i32
      %parallel_loop3A_109:4 = scf.for %parallel_loop3A_390 = %parallel_loop3A_105 to %parallel_loop3A_106 step %parallel_loop3A_107 iter_args(%parallel_loop3A_391 = %broadcast_in_dim3A_104, %parallel_loop3A_392 = %broadcast_in_dim3A_104, %parallel_loop3A_393 = %broadcast_in_dim3A_104, %parallel_loop3A_394 = %broadcast_in_dim3A_104) -> (vector<16xf32>, vector<16xf32>, vector<16xf32>, vector<16xf32>)  : i32 {
        %parallel_loop3A_395 = arith.constant 50 : i32
        %parallel_loop3A_396 = arith.addi %parallel_loop3A_395, %parallel_loop3A_390 : i32
        %parallel_loop3A_397 = arith.constant 0 : i32
        %parallel_loop3A_398 = arith.constant 0 : i32
        %parallel_loop3A_399 = tpu.memref_slice %arg7[%parallel_loop3A_108, %parallel_loop3A_397, %parallel_loop3A_398] : memref<4x100x64xf32, #tpu.memory_space<vmem>> -> memref<1x100x64xf32, #tpu.memory_space<vmem>>
        %parallel_loop3A_400 = tpu.memref_squeeze %parallel_loop3A_399 : memref<1x100x64xf32, #tpu.memory_space<vmem>> -> memref<100x64xf32, #tpu.memory_space<vmem>>
        %parallel_loop3A_401 = arith.index_cast %parallel_loop3A_396 : i32 to index
        %parallel_loop3A_402 = arith.constant 0 : index
        %parallel_loop3A_403 = tpu.vector_load %parallel_loop3A_400[%parallel_loop3A_401, %parallel_loop3A_402] {strides = array<i32>} : memref<100x64xf32, #tpu.memory_space<vmem>>, vector<1x16xf32>,
        %parallel_loop3A_404 = vector.shape_cast %parallel_loop3A_403 : vector<1x16xf32> to vector<16xf32>
        %parallel_loop3A_405 = arith.addf %parallel_loop3A_391, %parallel_loop3A_404 : vector<16xf32>
        %parallel_loop3A_406 = arith.constant 50 : i32
        %parallel_loop3A_407 = arith.addi %parallel_loop3A_406, %parallel_loop3A_390 : i32
        %parallel_loop3A_408 = arith.constant 0 : i32
        %parallel_loop3A_409 = arith.constant 0 : i32
        %parallel_loop3A_410 = tpu.memref_slice %arg7[%parallel_loop3A_108, %parallel_loop3A_408, %parallel_loop3A_409] : memref<4x100x64xf32, #tpu.memory_space<vmem>> -> memref<1x100x64xf32, #tpu.memory_space<vmem>>
        %parallel_loop3A_411 = tpu.memref_squeeze %parallel_loop3A_410 : memref<1x100x64xf32, #tpu.memory_space<vmem>> -> memref<100x64xf32, #tpu.memory_space<vmem>>
        %parallel_loop3A_412 = arith.index_cast %parallel_loop3A_407 : i32 to index
        %parallel_loop3A_413 = arith.constant 16 : index
        %parallel_loop3A_414 = tpu.vector_load %parallel_loop3A_411[%parallel_loop3A_412, %parallel_loop3A_413] {strides = array<i32>} : memref<100x64xf32, #tpu.memory_space<vmem>>, vector<1x16xf32>,
        %parallel_loop3A_415 = vector.shape_cast %parallel_loop3A_414 : vector<1x16xf32> to vector<16xf32>
        %parallel_loop3A_416 = arith.addf %parallel_loop3A_392, %parallel_loop3A_415 : vector<16xf32>
        %parallel_loop3A_417 = arith.constant 50 : i32
        %parallel_loop3A_418 = arith.addi %parallel_loop3A_417, %parallel_loop3A_390 : i32
        %parallel_loop3A_419 = arith.constant 0 : i32
        %parallel_loop3A_420 = arith.constant 0 : i32
        %parallel_loop3A_421 = tpu.memref_slice %arg7[%parallel_loop3A_108, %parallel_loop3A_419, %parallel_loop3A_420] : memref<4x100x64xf32, #tpu.memory_space<vmem>> -> memref<1x100x64xf32, #tpu.memory_space<vmem>>
        %parallel_loop3A_422 = tpu.memref_squeeze %parallel_loop3A_421 : memref<1x100x64xf32, #tpu.memory_space<vmem>> -> memref<100x64xf32, #tpu.memory_space<vmem>>
        %parallel_loop3A_423 = arith.index_cast %parallel_loop3A_418 : i32 to index
        %parallel_loop3A_424 = arith.constant 32 : index
        %parallel_loop3A_425 = tpu.vector_load %parallel_loop3A_422[%parallel_loop3A_423, %parallel_loop3A_424] {strides = array<i32>} : memref<100x64xf32, #tpu.memory_space<vmem>>, vector<1x16xf32>,
        %parallel_loop3A_426 = vector.shape_cast %parallel_loop3A_425 : vector<1x16xf32> to vector<16xf32>
        %parallel_loop3A_427 = arith.addf %parallel_loop3A_393, %parallel_loop3A_426 : vector<16xf32>
        %parallel_loop3A_428 = arith.constant 50 : i32
        %parallel_loop3A_429 = arith.addi %parallel_loop3A_428, %parallel_loop3A_390 : i32
        %parallel_loop3A_430 = arith.constant 0 : i32
        %parallel_loop3A_431 = arith.constant 0 : i32
        %parallel_loop3A_432 = tpu.memref_slice %arg7[%parallel_loop3A_108, %parallel_loop3A_430, %parallel_loop3A_431] : memref<4x100x64xf32, #tpu.memory_space<vmem>> -> memref<1x100x64xf32, #tpu.memory_space<vmem>>
        %parallel_loop3A_433 = tpu.memref_squeeze %parallel_loop3A_432 : memref<1x100x64xf32, #tpu.memory_space<vmem>> -> memref<100x64xf32, #tpu.memory_space<vmem>>
        %parallel_loop3A_434 = arith.index_cast %parallel_loop3A_429 : i32 to index
        %parallel_loop3A_435 = arith.constant 48 : index
        %parallel_loop3A_436 = tpu.vector_load %parallel_loop3A_433[%parallel_loop3A_434, %parallel_loop3A_435] {strides = array<i32>} : memref<100x64xf32, #tpu.memory_space<vmem>>, vector<1x16xf32>,
        %parallel_loop3A_437 = vector.shape_cast %parallel_loop3A_436 : vector<1x16xf32> to vector<16xf32>
        %parallel_loop3A_438 = arith.addf %parallel_loop3A_394, %parallel_loop3A_437 : vector<16xf32>
        scf.yield %parallel_loop3A_405, %parallel_loop3A_416, %parallel_loop3A_427, %parallel_loop3A_438 : vector<16xf32>, vector<16xf32>, vector<16xf32>, vector<16xf32>
      } {sc.loop_unroll_factor = 10 : i64, sc.parallel_access}
      %mul3A_110 = arith.constant 2 : i32
      %mul3A_111 = arith.muli %add3A_63, %mul3A_110 : i32
      %add3A_112 = arith.constant 1 : i32
      %add3A_113 = arith.addi %mul3A_111, %add3A_112 : i32
      %swap3A_114 = arith.index_cast %add3A_113 : i32 to index
      %swap3A_115 = arith.constant 0 : index
      %swap3A_116 = tpu.vector_load %arg8[%swap3A_114, %swap3A_115] {strides = array<i32>} : memref<128x64xf32, #tpu.memory_space<vmem>>, vector<1x16xf32>,
      %swap3A_117 = vector.shape_cast %swap3A_116 : vector<1x16xf32> to vector<16xf32>
      %swap3A_118 = vector.shape_cast %parallel_loop3A_109#0 : vector<16xf32> to vector<1x16xf32>
      tpu.vector_store %arg8[%swap3A_114, %swap3A_115], %swap3A_118 {strides = array<i32>} : memref<128x64xf32, #tpu.memory_space<vmem>>, vector<1x16xf32>,
      %swap3A_119 = arith.index_cast %add3A_113 : i32 to index
      %swap3A_120 = arith.constant 16 : index
      %swap3A_121 = tpu.vector_load %arg8[%swap3A_119, %swap3A_120] {strides = array<i32>} : memref<128x64xf32, #tpu.memory_space<vmem>>, vector<1x16xf32>,
      %swap3A_122 = vector.shape_cast %swap3A_121 : vector<1x16xf32> to vector<16xf32>
      %swap3A_123 = vector.shape_cast %parallel_loop3A_109#1 : vector<16xf32> to vector<1x16xf32>
      tpu.vector_store %arg8[%swap3A_119, %swap3A_120], %swap3A_123 {strides = array<i32>} : memref<128x64xf32, #tpu.memory_space<vmem>>, vector<1x16xf32>,
      %swap3A_124 = arith.index_cast %add3A_113 : i32 to index
      %swap3A_125 = arith.constant 32 : index
      %swap3A_126 = tpu.vector_load %arg8[%swap3A_124, %swap3A_125] {strides = array<i32>} : memref<128x64xf32, #tpu.memory_space<vmem>>, vector<1x16xf32>,
      %swap3A_127 = vector.shape_cast %swap3A_126 : vector<1x16xf32> to vector<16xf32>
      %swap3A_128 = vector.shape_cast %parallel_loop3A_109#2 : vector<16xf32> to vector<1x16xf32>
      tpu.vector_store %arg8[%swap3A_124, %swap3A_125], %swap3A_128 {strides = array<i32>} : memref<128x64xf32, #tpu.memory_space<vmem>>, vector<1x16xf32>,
      %swap3A_129 = arith.index_cast %add3A_113 : i32 to index
      %swap3A_130 = arith.constant 48 : index
      %swap3A_131 = tpu.vector_load %arg8[%swap3A_129, %swap3A_130] {strides = array<i32>} : memref<128x64xf32, #tpu.memory_space<vmem>>, vector<1x16xf32>,
      %swap3A_132 = vector.shape_cast %swap3A_131 : vector<1x16xf32> to vector<16xf32>
      %swap3A_133 = vector.shape_cast %parallel_loop3A_109#3 : vector<16xf32> to vector<1x16xf32>
      tpu.vector_store %arg8[%swap3A_129, %swap3A_130], %swap3A_133 {strides = array<i32>} : memref<128x64xf32, #tpu.memory_space<vmem>>, vector<1x16xf32>,
      %add3A_134 = arith.constant 4 : i32
      %add3A_135 = arith.addi %add3A_63, %add3A_134 : i32
      %lt3A = arith.constant 64 : i32
      %lt3A_136 = arith.cmpi slt, %add3A_135, %lt3A : i32
      %convert_element_type3A = arith.extui %lt3A_136 : i1 to i32
      %cond3A = arith.constant 0 : i32
      %cond3A_137 = arith.cmpi ne, %convert_element_type3A, %cond3A : i32
      scf.if %cond3A_137 {
        %dma_start3A_390 = arith.constant 0 : i32
        %dma_start3A_391 = arith.constant 0 : i32
        %dma_start3A_392 = arith.constant 0 : i32
        %dma_start3A_393 = tpu.memref_slice %arg7[%dma_start3A_390, %dma_start3A_391, %dma_start3A_392] : memref<4x100x64xf32, #tpu.memory_space<vmem>> -> memref<1x100x64xf32, #tpu.memory_space<vmem>>
        %dma_start3A_394 = tpu.memref_squeeze %dma_start3A_393 : memref<1x100x64xf32, #tpu.memory_space<vmem>> -> memref<100x64xf32, #tpu.memory_space<vmem>>
        %dma_start3A_395 = arith.constant 0 : i32
        %dma_start3A_396 = tpu.memref_slice %arg6[%add3A_135, %dma_start3A_395] : memref<64x100xi32, #tpu.memory_space<vmem>> -> memref<1x100xi32, #tpu.memory_space<vmem>>
        %dma_start3A_397 = tpu.memref_squeeze %dma_start3A_396 : memref<1x100xi32, #tpu.memory_space<vmem>> -> memref<100xi32, #tpu.memory_space<vmem>>
        %dma_start3A_398 = arith.constant 0 : i32
        %dma_start3A_399 = arith.constant 0 : i32
        %dma_start3A_400 = tpu.memref_slice %arg3[%dma_start3A_398, %dma_start3A_399] : memref<2000000x64xf32, #tpu.memory_space<hbm>> -> memref<2000000x64xf32, #tpu.memory_space<hbm>>
        tpu.enqueue_indirect_dma source(%dma_start3A_400 : memref<2000000x64xf32, #tpu.memory_space<hbm>>) target(%dma_start3A_394 : memref<100x64xf32, #tpu.memory_space<vmem>>) offsets(%dma_start3A_397 : memref<100xi32, #tpu.memory_space<vmem>>) semaphore(%arg9 : memref<!tpu.dma_semaphore, #tpu.memory_space<semaphore_mem>>)
      } else {
      }
      %mul3A_138 = arith.constant 4 : i32
      %mul3A_139 = arith.muli %scan3A_59, %mul3A_138 : i32
      %add3A_140 = arith.constant 1 : i32
      %add3A_141 = arith.addi %mul3A_139, %add3A_140 : i32
      %dma_wait3A_142 = arith.constant 1 : i32
      %dma_wait3A_143 = arith.constant 0 : i32
      %dma_wait3A_144 = arith.constant 0 : i32
      %dma_wait3A_145 = tpu.memref_slice %arg7[%dma_wait3A_142, %dma_wait3A_143, %dma_wait3A_144] : memref<4x100x64xf32, #tpu.memory_space<vmem>> -> memref<1x100x64xf32, #tpu.memory_space<vmem>>
      %dma_wait3A_146 = tpu.memref_squeeze %dma_wait3A_145 : memref<1x100x64xf32, #tpu.memory_space<vmem>> -> memref<100x64xf32, #tpu.memory_space<vmem>>
      %dma_wait3A_147 = arith.constant 0 : i32
      %dma_wait3A_148 = tpu.memref_slice %arg6[%add3A_141, %dma_wait3A_147] : memref<64x100xi32, #tpu.memory_space<vmem>> -> memref<1x100xi32, #tpu.memory_space<vmem>>
      %dma_wait3A_149 = tpu.memref_squeeze %dma_wait3A_148 : memref<1x100xi32, #tpu.memory_space<vmem>> -> memref<100xi32, #tpu.memory_space<vmem>>
      %dma_wait3A_150 = arith.constant 0 : i32
      %dma_wait3A_151 = arith.constant 0 : i32
      %dma_wait3A_152 = tpu.memref_slice %arg3[%dma_wait3A_150, %dma_wait3A_151] : memref<2000000x64xf32, #tpu.memory_space<hbm>> -> memref<2000000x64xf32, #tpu.memory_space<hbm>>
      tpu.wait_indirect_dma semaphore(%arg10 : memref<!tpu.dma_semaphore, #tpu.memory_space<semaphore_mem>>) src(%dma_wait3A_152 : memref<2000000x64xf32, #tpu.memory_space<hbm>>) dst(%dma_wait3A_146 : memref<100x64xf32, #tpu.memory_space<vmem>>)
      %broadcast_in_dim3A_153 = arith.constant 0.000000e+00 : f32
      %broadcast_in_dim3A_154 = vector.broadcast %broadcast_in_dim3A_153 : f32 to vector<16xf32>
      %parallel_loop3A_155 = arith.constant 0 : i32
      %parallel_loop3A_156 = arith.constant 50 : i32
      %parallel_loop3A_157 = arith.constant 1 : i32
      %parallel_loop3A_158 = arith.constant 1 : i32
      %parallel_loop3A_159:4 = scf.for %parallel_loop3A_390 = %parallel_loop3A_155 to %parallel_loop3A_156 step %parallel_loop3A_157 iter_args(%parallel_loop3A_391 = %broadcast_in_dim3A_154, %parallel_loop3A_392 = %broadcast_in_dim3A_154, %parallel_loop3A_393 = %broadcast_in_dim3A_154, %parallel_loop3A_394 = %broadcast_in_dim3A_154) -> (vector<16xf32>, vector<16xf32>, vector<16xf32>, vector<16xf32>)  : i32 {
        %parallel_loop3A_395 = arith.constant 0 : i32
        %parallel_loop3A_396 = arith.addi %parallel_loop3A_395, %parallel_loop3A_390 : i32
        %parallel_loop3A_397 = arith.constant 0 : i32
        %parallel_loop3A_398 = arith.constant 0 : i32
        %parallel_loop3A_399 = tpu.memref_slice %arg7[%parallel_loop3A_158, %parallel_loop3A_397, %parallel_loop3A_398] : memref<4x100x64xf32, #tpu.memory_space<vmem>> -> memref<1x100x64xf32, #tpu.memory_space<vmem>>
        %parallel_loop3A_400 = tpu.memref_squeeze %parallel_loop3A_399 : memref<1x100x64xf32, #tpu.memory_space<vmem>> -> memref<100x64xf32, #tpu.memory_space<vmem>>
        %parallel_loop3A_401 = arith.index_cast %parallel_loop3A_396 : i32 to index
        %parallel_loop3A_402 = arith.constant 0 : index
        %parallel_loop3A_403 = tpu.vector_load %parallel_loop3A_400[%parallel_loop3A_401, %parallel_loop3A_402] {strides = array<i32>} : memref<100x64xf32, #tpu.memory_space<vmem>>, vector<1x16xf32>,
        %parallel_loop3A_404 = vector.shape_cast %parallel_loop3A_403 : vector<1x16xf32> to vector<16xf32>
        %parallel_loop3A_405 = arith.addf %parallel_loop3A_391, %parallel_loop3A_404 : vector<16xf32>
        %parallel_loop3A_406 = arith.constant 0 : i32
        %parallel_loop3A_407 = arith.addi %parallel_loop3A_406, %parallel_loop3A_390 : i32
        %parallel_loop3A_408 = arith.constant 0 : i32
        %parallel_loop3A_409 = arith.constant 0 : i32
        %parallel_loop3A_410 = tpu.memref_slice %arg7[%parallel_loop3A_158, %parallel_loop3A_408, %parallel_loop3A_409] : memref<4x100x64xf32, #tpu.memory_space<vmem>> -> memref<1x100x64xf32, #tpu.memory_space<vmem>>
        %parallel_loop3A_411 = tpu.memref_squeeze %parallel_loop3A_410 : memref<1x100x64xf32, #tpu.memory_space<vmem>> -> memref<100x64xf32, #tpu.memory_space<vmem>>
        %parallel_loop3A_412 = arith.index_cast %parallel_loop3A_407 : i32 to index
        %parallel_loop3A_413 = arith.constant 16 : index
        %parallel_loop3A_414 = tpu.vector_load %parallel_loop3A_411[%parallel_loop3A_412, %parallel_loop3A_413] {strides = array<i32>} : memref<100x64xf32, #tpu.memory_space<vmem>>, vector<1x16xf32>,
        %parallel_loop3A_415 = vector.shape_cast %parallel_loop3A_414 : vector<1x16xf32> to vector<16xf32>
        %parallel_loop3A_416 = arith.addf %parallel_loop3A_392, %parallel_loop3A_415 : vector<16xf32>
        %parallel_loop3A_417 = arith.constant 0 : i32
        %parallel_loop3A_418 = arith.addi %parallel_loop3A_417, %parallel_loop3A_390 : i32
        %parallel_loop3A_419 = arith.constant 0 : i32
        %parallel_loop3A_420 = arith.constant 0 : i32
        %parallel_loop3A_421 = tpu.memref_slice %arg7[%parallel_loop3A_158, %parallel_loop3A_419, %parallel_loop3A_420] : memref<4x100x64xf32, #tpu.memory_space<vmem>> -> memref<1x100x64xf32, #tpu.memory_space<vmem>>
        %parallel_loop3A_422 = tpu.memref_squeeze %parallel_loop3A_421 : memref<1x100x64xf32, #tpu.memory_space<vmem>> -> memref<100x64xf32, #tpu.memory_space<vmem>>
        %parallel_loop3A_423 = arith.index_cast %parallel_loop3A_418 : i32 to index
        %parallel_loop3A_424 = arith.constant 32 : index
        %parallel_loop3A_425 = tpu.vector_load %parallel_loop3A_422[%parallel_loop3A_423, %parallel_loop3A_424] {strides = array<i32>} : memref<100x64xf32, #tpu.memory_space<vmem>>, vector<1x16xf32>,
        %parallel_loop3A_426 = vector.shape_cast %parallel_loop3A_425 : vector<1x16xf32> to vector<16xf32>
        %parallel_loop3A_427 = arith.addf %parallel_loop3A_393, %parallel_loop3A_426 : vector<16xf32>
        %parallel_loop3A_428 = arith.constant 0 : i32
        %parallel_loop3A_429 = arith.addi %parallel_loop3A_428, %parallel_loop3A_390 : i32
        %parallel_loop3A_430 = arith.constant 0 : i32
        %parallel_loop3A_431 = arith.constant 0 : i32
        %parallel_loop3A_432 = tpu.memref_slice %arg7[%parallel_loop3A_158, %parallel_loop3A_430, %parallel_loop3A_431] : memref<4x100x64xf32, #tpu.memory_space<vmem>> -> memref<1x100x64xf32, #tpu.memory_space<vmem>>
        %parallel_loop3A_433 = tpu.memref_squeeze %parallel_loop3A_432 : memref<1x100x64xf32, #tpu.memory_space<vmem>> -> memref<100x64xf32, #tpu.memory_space<vmem>>
        %parallel_loop3A_434 = arith.index_cast %parallel_loop3A_429 : i32 to index
        %parallel_loop3A_435 = arith.constant 48 : index
        %parallel_loop3A_436 = tpu.vector_load %parallel_loop3A_433[%parallel_loop3A_434, %parallel_loop3A_435] {strides = array<i32>} : memref<100x64xf32, #tpu.memory_space<vmem>>, vector<1x16xf32>,
        %parallel_loop3A_437 = vector.shape_cast %parallel_loop3A_436 : vector<1x16xf32> to vector<16xf32>
        %parallel_loop3A_438 = arith.addf %parallel_loop3A_394, %parallel_loop3A_437 : vector<16xf32>
        scf.yield %parallel_loop3A_405, %parallel_loop3A_416, %parallel_loop3A_427, %parallel_loop3A_438 : vector<16xf32>, vector<16xf32>, vector<16xf32>, vector<16xf32>
      } {sc.loop_unroll_factor = 10 : i64, sc.parallel_access}
      %mul3A_160 = arith.constant 2 : i32
      %mul3A_161 = arith.muli %add3A_141, %mul3A_160 : i32
      %add3A_162 = arith.constant 0 : i32
      %add3A_163 = arith.addi %mul3A_161, %add3A_162 : i32
      %swap3A_164 = arith.index_cast %add3A_163 : i32 to index
      %swap3A_165 = arith.constant 0 : index
      %swap3A_166 = tpu.vector_load %arg8[%swap3A_164, %swap3A_165] {strides = array<i32>} : memref<128x64xf32, #tpu.memory_space<vmem>>, vector<1x16xf32>,
      %swap3A_167 = vector.shape_cast %swap3A_166 : vector<1x16xf32> to vector<16xf32>
      %swap3A_168 = vector.shape_cast %parallel_loop3A_159#0 : vector<16xf32> to vector<1x16xf32>
      tpu.vector_store %arg8[%swap3A_164, %swap3A_165], %swap3A_168 {strides = array<i32>} : memref<128x64xf32, #tpu.memory_space<vmem>>, vector<1x16xf32>,
      %swap3A_169 = arith.index_cast %add3A_163 : i32 to index
      %swap3A_170 = arith.constant 16 : index
      %swap3A_171 = tpu.vector_load %arg8[%swap3A_169, %swap3A_170] {strides = array<i32>} : memref<128x64xf32, #tpu.memory_space<vmem>>, vector<1x16xf32>,
      %swap3A_172 = vector.shape_cast %swap3A_171 : vector<1x16xf32> to vector<16xf32>
      %swap3A_173 = vector.shape_cast %parallel_loop3A_159#1 : vector<16xf32> to vector<1x16xf32>
      tpu.vector_store %arg8[%swap3A_169, %swap3A_170], %swap3A_173 {strides = array<i32>} : memref<128x64xf32, #tpu.memory_space<vmem>>, vector<1x16xf32>,
      %swap3A_174 = arith.index_cast %add3A_163 : i32 to index
      %swap3A_175 = arith.constant 32 : index
      %swap3A_176 = tpu.vector_load %arg8[%swap3A_174, %swap3A_175] {strides = array<i32>} : memref<128x64xf32, #tpu.memory_space<vmem>>, vector<1x16xf32>,
      %swap3A_177 = vector.shape_cast %swap3A_176 : vector<1x16xf32> to vector<16xf32>
      %swap3A_178 = vector.shape_cast %parallel_loop3A_159#2 : vector<16xf32> to vector<1x16xf32>
      tpu.vector_store %arg8[%swap3A_174, %swap3A_175], %swap3A_178 {strides = array<i32>} : memref<128x64xf32, #tpu.memory_space<vmem>>, vector<1x16xf32>,
      %swap3A_179 = arith.index_cast %add3A_163 : i32 to index
      %swap3A_180 = arith.constant 48 : index
      %swap3A_181 = tpu.vector_load %arg8[%swap3A_179, %swap3A_180] {strides = array<i32>} : memref<128x64xf32, #tpu.memory_space<vmem>>, vector<1x16xf32>,
      %swap3A_182 = vector.shape_cast %swap3A_181 : vector<1x16xf32> to vector<16xf32>
      %swap3A_183 = vector.shape_cast %parallel_loop3A_159#3 : vector<16xf32> to vector<1x16xf32>
      tpu.vector_store %arg8[%swap3A_179, %swap3A_180], %swap3A_183 {strides = array<i32>} : memref<128x64xf32, #tpu.memory_space<vmem>>, vector<1x16xf32>,
      %broadcast_in_dim3A_184 = arith.constant 0.000000e+00 : f32
      %broadcast_in_dim3A_185 = vector.broadcast %broadcast_in_dim3A_184 : f32 to vector<16xf32>
      %parallel_loop3A_186 = arith.constant 0 : i32
      %parallel_loop3A_187 = arith.constant 50 : i32
      %parallel_loop3A_188 = arith.constant 1 : i32
      %parallel_loop3A_189 = arith.constant 1 : i32
      %parallel_loop3A_190:4 = scf.for %parallel_loop3A_390 = %parallel_loop3A_186 to %parallel_loop3A_187 step %parallel_loop3A_188 iter_args(%parallel_loop3A_391 = %broadcast_in_dim3A_185, %parallel_loop3A_392 = %broadcast_in_dim3A_185, %parallel_loop3A_393 = %broadcast_in_dim3A_185, %parallel_loop3A_394 = %broadcast_in_dim3A_185) -> (vector<16xf32>, vector<16xf32>, vector<16xf32>, vector<16xf32>)  : i32 {
        %parallel_loop3A_395 = arith.constant 50 : i32
        %parallel_loop3A_396 = arith.addi %parallel_loop3A_395, %parallel_loop3A_390 : i32
        %parallel_loop3A_397 = arith.constant 0 : i32
        %parallel_loop3A_398 = arith.constant 0 : i32
        %parallel_loop3A_399 = tpu.memref_slice %arg7[%parallel_loop3A_189, %parallel_loop3A_397, %parallel_loop3A_398] : memref<4x100x64xf32, #tpu.memory_space<vmem>> -> memref<1x100x64xf32, #tpu.memory_space<vmem>>
        %parallel_loop3A_400 = tpu.memref_squeeze %parallel_loop3A_399 : memref<1x100x64xf32, #tpu.memory_space<vmem>> -> memref<100x64xf32, #tpu.memory_space<vmem>>
        %parallel_loop3A_401 = arith.index_cast %parallel_loop3A_396 : i32 to index
        %parallel_loop3A_402 = arith.constant 0 : index
        %parallel_loop3A_403 = tpu.vector_load %parallel_loop3A_400[%parallel_loop3A_401, %parallel_loop3A_402] {strides = array<i32>} : memref<100x64xf32, #tpu.memory_space<vmem>>, vector<1x16xf32>,
        %parallel_loop3A_404 = vector.shape_cast %parallel_loop3A_403 : vector<1x16xf32> to vector<16xf32>
        %parallel_loop3A_405 = arith.addf %parallel_loop3A_391, %parallel_loop3A_404 : vector<16xf32>
        %parallel_loop3A_406 = arith.constant 50 : i32
        %parallel_loop3A_407 = arith.addi %parallel_loop3A_406, %parallel_loop3A_390 : i32
        %parallel_loop3A_408 = arith.constant 0 : i32
        %parallel_loop3A_409 = arith.constant 0 : i32
        %parallel_loop3A_410 = tpu.memref_slice %arg7[%parallel_loop3A_189, %parallel_loop3A_408, %parallel_loop3A_409] : memref<4x100x64xf32, #tpu.memory_space<vmem>> -> memref<1x100x64xf32, #tpu.memory_space<vmem>>
        %parallel_loop3A_411 = tpu.memref_squeeze %parallel_loop3A_410 : memref<1x100x64xf32, #tpu.memory_space<vmem>> -> memref<100x64xf32, #tpu.memory_space<vmem>>
        %parallel_loop3A_412 = arith.index_cast %parallel_loop3A_407 : i32 to index
        %parallel_loop3A_413 = arith.constant 16 : index
        %parallel_loop3A_414 = tpu.vector_load %parallel_loop3A_411[%parallel_loop3A_412, %parallel_loop3A_413] {strides = array<i32>} : memref<100x64xf32, #tpu.memory_space<vmem>>, vector<1x16xf32>,
        %parallel_loop3A_415 = vector.shape_cast %parallel_loop3A_414 : vector<1x16xf32> to vector<16xf32>
        %parallel_loop3A_416 = arith.addf %parallel_loop3A_392, %parallel_loop3A_415 : vector<16xf32>
        %parallel_loop3A_417 = arith.constant 50 : i32
        %parallel_loop3A_418 = arith.addi %parallel_loop3A_417, %parallel_loop3A_390 : i32
        %parallel_loop3A_419 = arith.constant 0 : i32
        %parallel_loop3A_420 = arith.constant 0 : i32
        %parallel_loop3A_421 = tpu.memref_slice %arg7[%parallel_loop3A_189, %parallel_loop3A_419, %parallel_loop3A_420] : memref<4x100x64xf32, #tpu.memory_space<vmem>> -> memref<1x100x64xf32, #tpu.memory_space<vmem>>
        %parallel_loop3A_422 = tpu.memref_squeeze %parallel_loop3A_421 : memref<1x100x64xf32, #tpu.memory_space<vmem>> -> memref<100x64xf32, #tpu.memory_space<vmem>>
        %parallel_loop3A_423 = arith.index_cast %parallel_loop3A_418 : i32 to index
        %parallel_loop3A_424 = arith.constant 32 : index
        %parallel_loop3A_425 = tpu.vector_load %parallel_loop3A_422[%parallel_loop3A_423, %parallel_loop3A_424] {strides = array<i32>} : memref<100x64xf32, #tpu.memory_space<vmem>>, vector<1x16xf32>,
        %parallel_loop3A_426 = vector.shape_cast %parallel_loop3A_425 : vector<1x16xf32> to vector<16xf32>
        %parallel_loop3A_427 = arith.addf %parallel_loop3A_393, %parallel_loop3A_426 : vector<16xf32>
        %parallel_loop3A_428 = arith.constant 50 : i32
        %parallel_loop3A_429 = arith.addi %parallel_loop3A_428, %parallel_loop3A_390 : i32
        %parallel_loop3A_430 = arith.constant 0 : i32
        %parallel_loop3A_431 = arith.constant 0 : i32
        %parallel_loop3A_432 = tpu.memref_slice %arg7[%parallel_loop3A_189, %parallel_loop3A_430, %parallel_loop3A_431] : memref<4x100x64xf32, #tpu.memory_space<vmem>> -> memref<1x100x64xf32, #tpu.memory_space<vmem>>
        %parallel_loop3A_433 = tpu.memref_squeeze %parallel_loop3A_432 : memref<1x100x64xf32, #tpu.memory_space<vmem>> -> memref<100x64xf32, #tpu.memory_space<vmem>>
        %parallel_loop3A_434 = arith.index_cast %parallel_loop3A_429 : i32 to index
        %parallel_loop3A_435 = arith.constant 48 : index
        %parallel_loop3A_436 = tpu.vector_load %parallel_loop3A_433[%parallel_loop3A_434, %parallel_loop3A_435] {strides = array<i32>} : memref<100x64xf32, #tpu.memory_space<vmem>>, vector<1x16xf32>,
        %parallel_loop3A_437 = vector.shape_cast %parallel_loop3A_436 : vector<1x16xf32> to vector<16xf32>
        %parallel_loop3A_438 = arith.addf %parallel_loop3A_394, %parallel_loop3A_437 : vector<16xf32>
        scf.yield %parallel_loop3A_405, %parallel_loop3A_416, %parallel_loop3A_427, %parallel_loop3A_438 : vector<16xf32>, vector<16xf32>, vector<16xf32>, vector<16xf32>
      } {sc.loop_unroll_factor = 10 : i64, sc.parallel_access}
      %mul3A_191 = arith.constant 2 : i32
      %mul3A_192 = arith.muli %add3A_141, %mul3A_191 : i32
      %add3A_193 = arith.constant 1 : i32
      %add3A_194 = arith.addi %mul3A_192, %add3A_193 : i32
      %swap3A_195 = arith.index_cast %add3A_194 : i32 to index
      %swap3A_196 = arith.constant 0 : index
      %swap3A_197 = tpu.vector_load %arg8[%swap3A_195, %swap3A_196] {strides = array<i32>} : memref<128x64xf32, #tpu.memory_space<vmem>>, vector<1x16xf32>,
      %swap3A_198 = vector.shape_cast %swap3A_197 : vector<1x16xf32> to vector<16xf32>
      %swap3A_199 = vector.shape_cast %parallel_loop3A_190#0 : vector<16xf32> to vector<1x16xf32>
      tpu.vector_store %arg8[%swap3A_195, %swap3A_196], %swap3A_199 {strides = array<i32>} : memref<128x64xf32, #tpu.memory_space<vmem>>, vector<1x16xf32>,
      %swap3A_200 = arith.index_cast %add3A_194 : i32 to index
      %swap3A_201 = arith.constant 16 : index
      %swap3A_202 = tpu.vector_load %arg8[%swap3A_200, %swap3A_201] {strides = array<i32>} : memref<128x64xf32, #tpu.memory_space<vmem>>, vector<1x16xf32>,
      %swap3A_203 = vector.shape_cast %swap3A_202 : vector<1x16xf32> to vector<16xf32>
      %swap3A_204 = vector.shape_cast %parallel_loop3A_190#1 : vector<16xf32> to vector<1x16xf32>
      tpu.vector_store %arg8[%swap3A_200, %swap3A_201], %swap3A_204 {strides = array<i32>} : memref<128x64xf32, #tpu.memory_space<vmem>>, vector<1x16xf32>,
      %swap3A_205 = arith.index_cast %add3A_194 : i32 to index
      %swap3A_206 = arith.constant 32 : index
      %swap3A_207 = tpu.vector_load %arg8[%swap3A_205, %swap3A_206] {strides = array<i32>} : memref<128x64xf32, #tpu.memory_space<vmem>>, vector<1x16xf32>,
      %swap3A_208 = vector.shape_cast %swap3A_207 : vector<1x16xf32> to vector<16xf32>
      %swap3A_209 = vector.shape_cast %parallel_loop3A_190#2 : vector<16xf32> to vector<1x16xf32>
      tpu.vector_store %arg8[%swap3A_205, %swap3A_206], %swap3A_209 {strides = array<i32>} : memref<128x64xf32, #tpu.memory_space<vmem>>, vector<1x16xf32>,
      %swap3A_210 = arith.index_cast %add3A_194 : i32 to index
      %swap3A_211 = arith.constant 48 : index
      %swap3A_212 = tpu.vector_load %arg8[%swap3A_210, %swap3A_211] {strides = array<i32>} : memref<128x64xf32, #tpu.memory_space<vmem>>, vector<1x16xf32>,
      %swap3A_213 = vector.shape_cast %swap3A_212 : vector<1x16xf32> to vector<16xf32>
      %swap3A_214 = vector.shape_cast %parallel_loop3A_190#3 : vector<16xf32> to vector<1x16xf32>
      tpu.vector_store %arg8[%swap3A_210, %swap3A_211], %swap3A_214 {strides = array<i32>} : memref<128x64xf32, #tpu.memory_space<vmem>>, vector<1x16xf32>,
      %add3A_215 = arith.constant 4 : i32
      %add3A_216 = arith.addi %add3A_141, %add3A_215 : i32
      %lt3A_217 = arith.constant 64 : i32
      %lt3A_218 = arith.cmpi slt, %add3A_216, %lt3A_217 : i32
      %convert_element_type3A_219 = arith.extui %lt3A_218 : i1 to i32
      %cond3A_220 = arith.constant 0 : i32
      %cond3A_221 = arith.cmpi ne, %convert_element_type3A_219, %cond3A_220 : i32
      scf.if %cond3A_221 {
        %dma_start3A_390 = arith.constant 1 : i32
        %dma_start3A_391 = arith.constant 0 : i32
        %dma_start3A_392 = arith.constant 0 : i32
        %dma_start3A_393 = tpu.memref_slice %arg7[%dma_start3A_390, %dma_start3A_391, %dma_start3A_392] : memref<4x100x64xf32, #tpu.memory_space<vmem>> -> memref<1x100x64xf32, #tpu.memory_space<vmem>>
        %dma_start3A_394 = tpu.memref_squeeze %dma_start3A_393 : memref<1x100x64xf32, #tpu.memory_space<vmem>> -> memref<100x64xf32, #tpu.memory_space<vmem>>
        %dma_start3A_395 = arith.constant 0 : i32
        %dma_start3A_396 = tpu.memref_slice %arg6[%add3A_216, %dma_start3A_395] : memref<64x100xi32, #tpu.memory_space<vmem>> -> memref<1x100xi32, #tpu.memory_space<vmem>>
        %dma_start3A_397 = tpu.memref_squeeze %dma_start3A_396 : memref<1x100xi32, #tpu.memory_space<vmem>> -> memref<100xi32, #tpu.memory_space<vmem>>
        %dma_start3A_398 = arith.constant 0 : i32
        %dma_start3A_399 = arith.constant 0 : i32
        %dma_start3A_400 = tpu.memref_slice %arg3[%dma_start3A_398, %dma_start3A_399] : memref<2000000x64xf32, #tpu.memory_space<hbm>> -> memref<2000000x64xf32, #tpu.memory_space<hbm>>
        tpu.enqueue_indirect_dma source(%dma_start3A_400 : memref<2000000x64xf32, #tpu.memory_space<hbm>>) target(%dma_start3A_394 : memref<100x64xf32, #tpu.memory_space<vmem>>) offsets(%dma_start3A_397 : memref<100xi32, #tpu.memory_space<vmem>>) semaphore(%arg10 : memref<!tpu.dma_semaphore, #tpu.memory_space<semaphore_mem>>)
      } else {
      }
      %mul3A_222 = arith.constant 4 : i32
      %mul3A_223 = arith.muli %scan3A_59, %mul3A_222 : i32
      %add3A_224 = arith.constant 2 : i32
      %add3A_225 = arith.addi %mul3A_223, %add3A_224 : i32
      %dma_wait3A_226 = arith.constant 2 : i32
      %dma_wait3A_227 = arith.constant 0 : i32
      %dma_wait3A_228 = arith.constant 0 : i32
      %dma_wait3A_229 = tpu.memref_slice %arg7[%dma_wait3A_226, %dma_wait3A_227, %dma_wait3A_228] : memref<4x100x64xf32, #tpu.memory_space<vmem>> -> memref<1x100x64xf32, #tpu.memory_space<vmem>>
      %dma_wait3A_230 = tpu.memref_squeeze %dma_wait3A_229 : memref<1x100x64xf32, #tpu.memory_space<vmem>> -> memref<100x64xf32, #tpu.memory_space<vmem>>
      %dma_wait3A_231 = arith.constant 0 : i32
      %dma_wait3A_232 = tpu.memref_slice %arg6[%add3A_225, %dma_wait3A_231] : memref<64x100xi32, #tpu.memory_space<vmem>> -> memref<1x100xi32, #tpu.memory_space<vmem>>
      %dma_wait3A_233 = tpu.memref_squeeze %dma_wait3A_232 : memref<1x100xi32, #tpu.memory_space<vmem>> -> memref<100xi32, #tpu.memory_space<vmem>>
      %dma_wait3A_234 = arith.constant 0 : i32
      %dma_wait3A_235 = arith.constant 0 : i32
      %dma_wait3A_236 = tpu.memref_slice %arg3[%dma_wait3A_234, %dma_wait3A_235] : memref<2000000x64xf32, #tpu.memory_space<hbm>> -> memref<2000000x64xf32, #tpu.memory_space<hbm>>
      tpu.wait_indirect_dma semaphore(%arg11 : memref<!tpu.dma_semaphore, #tpu.memory_space<semaphore_mem>>) src(%dma_wait3A_236 : memref<2000000x64xf32, #tpu.memory_space<hbm>>) dst(%dma_wait3A_230 : memref<100x64xf32, #tpu.memory_space<vmem>>)
      %broadcast_in_dim3A_237 = arith.constant 0.000000e+00 : f32
      %broadcast_in_dim3A_238 = vector.broadcast %broadcast_in_dim3A_237 : f32 to vector<16xf32>
      %parallel_loop3A_239 = arith.constant 0 : i32
      %parallel_loop3A_240 = arith.constant 50 : i32
      %parallel_loop3A_241 = arith.constant 1 : i32
      %parallel_loop3A_242 = arith.constant 2 : i32
      %parallel_loop3A_243:4 = scf.for %parallel_loop3A_390 = %parallel_loop3A_239 to %parallel_loop3A_240 step %parallel_loop3A_241 iter_args(%parallel_loop3A_391 = %broadcast_in_dim3A_238, %parallel_loop3A_392 = %broadcast_in_dim3A_238, %parallel_loop3A_393 = %broadcast_in_dim3A_238, %parallel_loop3A_394 = %broadcast_in_dim3A_238) -> (vector<16xf32>, vector<16xf32>, vector<16xf32>, vector<16xf32>)  : i32 {
        %parallel_loop3A_395 = arith.constant 0 : i32
        %parallel_loop3A_396 = arith.addi %parallel_loop3A_395, %parallel_loop3A_390 : i32
        %parallel_loop3A_397 = arith.constant 0 : i32
        %parallel_loop3A_398 = arith.constant 0 : i32
        %parallel_loop3A_399 = tpu.memref_slice %arg7[%parallel_loop3A_242, %parallel_loop3A_397, %parallel_loop3A_398] : memref<4x100x64xf32, #tpu.memory_space<vmem>> -> memref<1x100x64xf32, #tpu.memory_space<vmem>>
        %parallel_loop3A_400 = tpu.memref_squeeze %parallel_loop3A_399 : memref<1x100x64xf32, #tpu.memory_space<vmem>> -> memref<100x64xf32, #tpu.memory_space<vmem>>
        %parallel_loop3A_401 = arith.index_cast %parallel_loop3A_396 : i32 to index
        %parallel_loop3A_402 = arith.constant 0 : index
        %parallel_loop3A_403 = tpu.vector_load %parallel_loop3A_400[%parallel_loop3A_401, %parallel_loop3A_402] {strides = array<i32>} : memref<100x64xf32, #tpu.memory_space<vmem>>, vector<1x16xf32>,
        %parallel_loop3A_404 = vector.shape_cast %parallel_loop3A_403 : vector<1x16xf32> to vector<16xf32>
        %parallel_loop3A_405 = arith.addf %parallel_loop3A_391, %parallel_loop3A_404 : vector<16xf32>
        %parallel_loop3A_406 = arith.constant 0 : i32
        %parallel_loop3A_407 = arith.addi %parallel_loop3A_406, %parallel_loop3A_390 : i32
        %parallel_loop3A_408 = arith.constant 0 : i32
        %parallel_loop3A_409 = arith.constant 0 : i32
        %parallel_loop3A_410 = tpu.memref_slice %arg7[%parallel_loop3A_242, %parallel_loop3A_408, %parallel_loop3A_409] : memref<4x100x64xf32, #tpu.memory_space<vmem>> -> memref<1x100x64xf32, #tpu.memory_space<vmem>>
        %parallel_loop3A_411 = tpu.memref_squeeze %parallel_loop3A_410 : memref<1x100x64xf32, #tpu.memory_space<vmem>> -> memref<100x64xf32, #tpu.memory_space<vmem>>
        %parallel_loop3A_412 = arith.index_cast %parallel_loop3A_407 : i32 to index
        %parallel_loop3A_413 = arith.constant 16 : index
        %parallel_loop3A_414 = tpu.vector_load %parallel_loop3A_411[%parallel_loop3A_412, %parallel_loop3A_413] {strides = array<i32>} : memref<100x64xf32, #tpu.memory_space<vmem>>, vector<1x16xf32>,
        %parallel_loop3A_415 = vector.shape_cast %parallel_loop3A_414 : vector<1x16xf32> to vector<16xf32>
        %parallel_loop3A_416 = arith.addf %parallel_loop3A_392, %parallel_loop3A_415 : vector<16xf32>
        %parallel_loop3A_417 = arith.constant 0 : i32
        %parallel_loop3A_418 = arith.addi %parallel_loop3A_417, %parallel_loop3A_390 : i32
        %parallel_loop3A_419 = arith.constant 0 : i32
        %parallel_loop3A_420 = arith.constant 0 : i32
        %parallel_loop3A_421 = tpu.memref_slice %arg7[%parallel_loop3A_242, %parallel_loop3A_419, %parallel_loop3A_420] : memref<4x100x64xf32, #tpu.memory_space<vmem>> -> memref<1x100x64xf32, #tpu.memory_space<vmem>>
        %parallel_loop3A_422 = tpu.memref_squeeze %parallel_loop3A_421 : memref<1x100x64xf32, #tpu.memory_space<vmem>> -> memref<100x64xf32, #tpu.memory_space<vmem>>
        %parallel_loop3A_423 = arith.index_cast %parallel_loop3A_418 : i32 to index
        %parallel_loop3A_424 = arith.constant 32 : index
        %parallel_loop3A_425 = tpu.vector_load %parallel_loop3A_422[%parallel_loop3A_423, %parallel_loop3A_424] {strides = array<i32>} : memref<100x64xf32, #tpu.memory_space<vmem>>, vector<1x16xf32>,
        %parallel_loop3A_426 = vector.shape_cast %parallel_loop3A_425 : vector<1x16xf32> to vector<16xf32>
        %parallel_loop3A_427 = arith.addf %parallel_loop3A_393, %parallel_loop3A_426 : vector<16xf32>
        %parallel_loop3A_428 = arith.constant 0 : i32
        %parallel_loop3A_429 = arith.addi %parallel_loop3A_428, %parallel_loop3A_390 : i32
        %parallel_loop3A_430 = arith.constant 0 : i32
        %parallel_loop3A_431 = arith.constant 0 : i32
        %parallel_loop3A_432 = tpu.memref_slice %arg7[%parallel_loop3A_242, %parallel_loop3A_430, %parallel_loop3A_431] : memref<4x100x64xf32, #tpu.memory_space<vmem>> -> memref<1x100x64xf32, #tpu.memory_space<vmem>>
        %parallel_loop3A_433 = tpu.memref_squeeze %parallel_loop3A_432 : memref<1x100x64xf32, #tpu.memory_space<vmem>> -> memref<100x64xf32, #tpu.memory_space<vmem>>
        %parallel_loop3A_434 = arith.index_cast %parallel_loop3A_429 : i32 to index
        %parallel_loop3A_435 = arith.constant 48 : index
        %parallel_loop3A_436 = tpu.vector_load %parallel_loop3A_433[%parallel_loop3A_434, %parallel_loop3A_435] {strides = array<i32>} : memref<100x64xf32, #tpu.memory_space<vmem>>, vector<1x16xf32>,
        %parallel_loop3A_437 = vector.shape_cast %parallel_loop3A_436 : vector<1x16xf32> to vector<16xf32>
        %parallel_loop3A_438 = arith.addf %parallel_loop3A_394, %parallel_loop3A_437 : vector<16xf32>
        scf.yield %parallel_loop3A_405, %parallel_loop3A_416, %parallel_loop3A_427, %parallel_loop3A_438 : vector<16xf32>, vector<16xf32>, vector<16xf32>, vector<16xf32>
      } {sc.loop_unroll_factor = 10 : i64, sc.parallel_access}
      %mul3A_244 = arith.constant 2 : i32
      %mul3A_245 = arith.muli %add3A_225, %mul3A_244 : i32
      %add3A_246 = arith.constant 0 : i32
      %add3A_247 = arith.addi %mul3A_245, %add3A_246 : i32
      %swap3A_248 = arith.index_cast %add3A_247 : i32 to index
      %swap3A_249 = arith.constant 0 : index
      %swap3A_250 = tpu.vector_load %arg8[%swap3A_248, %swap3A_249] {strides = array<i32>} : memref<128x64xf32, #tpu.memory_space<vmem>>, vector<1x16xf32>,
      %swap3A_251 = vector.shape_cast %swap3A_250 : vector<1x16xf32> to vector<16xf32>
      %swap3A_252 = vector.shape_cast %parallel_loop3A_243#0 : vector<16xf32> to vector<1x16xf32>
      tpu.vector_store %arg8[%swap3A_248, %swap3A_249], %swap3A_252 {strides = array<i32>} : memref<128x64xf32, #tpu.memory_space<vmem>>, vector<1x16xf32>,
      %swap3A_253 = arith.index_cast %add3A_247 : i32 to index
      %swap3A_254 = arith.constant 16 : index
      %swap3A_255 = tpu.vector_load %arg8[%swap3A_253, %swap3A_254] {strides = array<i32>} : memref<128x64xf32, #tpu.memory_space<vmem>>, vector<1x16xf32>,
      %swap3A_256 = vector.shape_cast %swap3A_255 : vector<1x16xf32> to vector<16xf32>
      %swap3A_257 = vector.shape_cast %parallel_loop3A_243#1 : vector<16xf32> to vector<1x16xf32>
      tpu.vector_store %arg8[%swap3A_253, %swap3A_254], %swap3A_257 {strides = array<i32>} : memref<128x64xf32, #tpu.memory_space<vmem>>, vector<1x16xf32>,
      %swap3A_258 = arith.index_cast %add3A_247 : i32 to index
      %swap3A_259 = arith.constant 32 : index
      %swap3A_260 = tpu.vector_load %arg8[%swap3A_258, %swap3A_259] {strides = array<i32>} : memref<128x64xf32, #tpu.memory_space<vmem>>, vector<1x16xf32>,
      %swap3A_261 = vector.shape_cast %swap3A_260 : vector<1x16xf32> to vector<16xf32>
      %swap3A_262 = vector.shape_cast %parallel_loop3A_243#2 : vector<16xf32> to vector<1x16xf32>
      tpu.vector_store %arg8[%swap3A_258, %swap3A_259], %swap3A_262 {strides = array<i32>} : memref<128x64xf32, #tpu.memory_space<vmem>>, vector<1x16xf32>,
      %swap3A_263 = arith.index_cast %add3A_247 : i32 to index
      %swap3A_264 = arith.constant 48 : index
      %swap3A_265 = tpu.vector_load %arg8[%swap3A_263, %swap3A_264] {strides = array<i32>} : memref<128x64xf32, #tpu.memory_space<vmem>>, vector<1x16xf32>,
      %swap3A_266 = vector.shape_cast %swap3A_265 : vector<1x16xf32> to vector<16xf32>
      %swap3A_267 = vector.shape_cast %parallel_loop3A_243#3 : vector<16xf32> to vector<1x16xf32>
      tpu.vector_store %arg8[%swap3A_263, %swap3A_264], %swap3A_267 {strides = array<i32>} : memref<128x64xf32, #tpu.memory_space<vmem>>, vector<1x16xf32>,
      %broadcast_in_dim3A_268 = arith.constant 0.000000e+00 : f32
      %broadcast_in_dim3A_269 = vector.broadcast %broadcast_in_dim3A_268 : f32 to vector<16xf32>
      %parallel_loop3A_270 = arith.constant 0 : i32
      %parallel_loop3A_271 = arith.constant 50 : i32
      %parallel_loop3A_272 = arith.constant 1 : i32
      %parallel_loop3A_273 = arith.constant 2 : i32
      %parallel_loop3A_274:4 = scf.for %parallel_loop3A_390 = %parallel_loop3A_270 to %parallel_loop3A_271 step %parallel_loop3A_272 iter_args(%parallel_loop3A_391 = %broadcast_in_dim3A_269, %parallel_loop3A_392 = %broadcast_in_dim3A_269, %parallel_loop3A_393 = %broadcast_in_dim3A_269, %parallel_loop3A_394 = %broadcast_in_dim3A_269) -> (vector<16xf32>, vector<16xf32>, vector<16xf32>, vector<16xf32>)  : i32 {
        %parallel_loop3A_395 = arith.constant 50 : i32
        %parallel_loop3A_396 = arith.addi %parallel_loop3A_395, %parallel_loop3A_390 : i32
        %parallel_loop3A_397 = arith.constant 0 : i32
        %parallel_loop3A_398 = arith.constant 0 : i32
        %parallel_loop3A_399 = tpu.memref_slice %arg7[%parallel_loop3A_273, %parallel_loop3A_397, %parallel_loop3A_398] : memref<4x100x64xf32, #tpu.memory_space<vmem>> -> memref<1x100x64xf32, #tpu.memory_space<vmem>>
        %parallel_loop3A_400 = tpu.memref_squeeze %parallel_loop3A_399 : memref<1x100x64xf32, #tpu.memory_space<vmem>> -> memref<100x64xf32, #tpu.memory_space<vmem>>
        %parallel_loop3A_401 = arith.index_cast %parallel_loop3A_396 : i32 to index
        %parallel_loop3A_402 = arith.constant 0 : index
        %parallel_loop3A_403 = tpu.vector_load %parallel_loop3A_400[%parallel_loop3A_401, %parallel_loop3A_402] {strides = array<i32>} : memref<100x64xf32, #tpu.memory_space<vmem>>, vector<1x16xf32>,
        %parallel_loop3A_404 = vector.shape_cast %parallel_loop3A_403 : vector<1x16xf32> to vector<16xf32>
        %parallel_loop3A_405 = arith.addf %parallel_loop3A_391, %parallel_loop3A_404 : vector<16xf32>
        %parallel_loop3A_406 = arith.constant 50 : i32
        %parallel_loop3A_407 = arith.addi %parallel_loop3A_406, %parallel_loop3A_390 : i32
        %parallel_loop3A_408 = arith.constant 0 : i32
        %parallel_loop3A_409 = arith.constant 0 : i32
        %parallel_loop3A_410 = tpu.memref_slice %arg7[%parallel_loop3A_273, %parallel_loop3A_408, %parallel_loop3A_409] : memref<4x100x64xf32, #tpu.memory_space<vmem>> -> memref<1x100x64xf32, #tpu.memory_space<vmem>>
        %parallel_loop3A_411 = tpu.memref_squeeze %parallel_loop3A_410 : memref<1x100x64xf32, #tpu.memory_space<vmem>> -> memref<100x64xf32, #tpu.memory_space<vmem>>
        %parallel_loop3A_412 = arith.index_cast %parallel_loop3A_407 : i32 to index
        %parallel_loop3A_413 = arith.constant 16 : index
        %parallel_loop3A_414 = tpu.vector_load %parallel_loop3A_411[%parallel_loop3A_412, %parallel_loop3A_413] {strides = array<i32>} : memref<100x64xf32, #tpu.memory_space<vmem>>, vector<1x16xf32>,
        %parallel_loop3A_415 = vector.shape_cast %parallel_loop3A_414 : vector<1x16xf32> to vector<16xf32>
        %parallel_loop3A_416 = arith.addf %parallel_loop3A_392, %parallel_loop3A_415 : vector<16xf32>
        %parallel_loop3A_417 = arith.constant 50 : i32
        %parallel_loop3A_418 = arith.addi %parallel_loop3A_417, %parallel_loop3A_390 : i32
        %parallel_loop3A_419 = arith.constant 0 : i32
        %parallel_loop3A_420 = arith.constant 0 : i32
        %parallel_loop3A_421 = tpu.memref_slice %arg7[%parallel_loop3A_273, %parallel_loop3A_419, %parallel_loop3A_420] : memref<4x100x64xf32, #tpu.memory_space<vmem>> -> memref<1x100x64xf32, #tpu.memory_space<vmem>>
        %parallel_loop3A_422 = tpu.memref_squeeze %parallel_loop3A_421 : memref<1x100x64xf32, #tpu.memory_space<vmem>> -> memref<100x64xf32, #tpu.memory_space<vmem>>
        %parallel_loop3A_423 = arith.index_cast %parallel_loop3A_418 : i32 to index
        %parallel_loop3A_424 = arith.constant 32 : index
        %parallel_loop3A_425 = tpu.vector_load %parallel_loop3A_422[%parallel_loop3A_423, %parallel_loop3A_424] {strides = array<i32>} : memref<100x64xf32, #tpu.memory_space<vmem>>, vector<1x16xf32>,
        %parallel_loop3A_426 = vector.shape_cast %parallel_loop3A_425 : vector<1x16xf32> to vector<16xf32>
        %parallel_loop3A_427 = arith.addf %parallel_loop3A_393, %parallel_loop3A_426 : vector<16xf32>
        %parallel_loop3A_428 = arith.constant 50 : i32
        %parallel_loop3A_429 = arith.addi %parallel_loop3A_428, %parallel_loop3A_390 : i32
        %parallel_loop3A_430 = arith.constant 0 : i32
        %parallel_loop3A_431 = arith.constant 0 : i32
        %parallel_loop3A_432 = tpu.memref_slice %arg7[%parallel_loop3A_273, %parallel_loop3A_430, %parallel_loop3A_431] : memref<4x100x64xf32, #tpu.memory_space<vmem>> -> memref<1x100x64xf32, #tpu.memory_space<vmem>>
        %parallel_loop3A_433 = tpu.memref_squeeze %parallel_loop3A_432 : memref<1x100x64xf32, #tpu.memory_space<vmem>> -> memref<100x64xf32, #tpu.memory_space<vmem>>
        %parallel_loop3A_434 = arith.index_cast %parallel_loop3A_429 : i32 to index
        %parallel_loop3A_435 = arith.constant 48 : index
        %parallel_loop3A_436 = tpu.vector_load %parallel_loop3A_433[%parallel_loop3A_434, %parallel_loop3A_435] {strides = array<i32>} : memref<100x64xf32, #tpu.memory_space<vmem>>, vector<1x16xf32>,
        %parallel_loop3A_437 = vector.shape_cast %parallel_loop3A_436 : vector<1x16xf32> to vector<16xf32>
        %parallel_loop3A_438 = arith.addf %parallel_loop3A_394, %parallel_loop3A_437 : vector<16xf32>
        scf.yield %parallel_loop3A_405, %parallel_loop3A_416, %parallel_loop3A_427, %parallel_loop3A_438 : vector<16xf32>, vector<16xf32>, vector<16xf32>, vector<16xf32>
      } {sc.loop_unroll_factor = 10 : i64, sc.parallel_access}
      %mul3A_275 = arith.constant 2 : i32
      %mul3A_276 = arith.muli %add3A_225, %mul3A_275 : i32
      %add3A_277 = arith.constant 1 : i32
      %add3A_278 = arith.addi %mul3A_276, %add3A_277 : i32
      %swap3A_279 = arith.index_cast %add3A_278 : i32 to index
      %swap3A_280 = arith.constant 0 : index
      %swap3A_281 = tpu.vector_load %arg8[%swap3A_279, %swap3A_280] {strides = array<i32>} : memref<128x64xf32, #tpu.memory_space<vmem>>, vector<1x16xf32>,
      %swap3A_282 = vector.shape_cast %swap3A_281 : vector<1x16xf32> to vector<16xf32>
      %swap3A_283 = vector.shape_cast %parallel_loop3A_274#0 : vector<16xf32> to vector<1x16xf32>
      tpu.vector_store %arg8[%swap3A_279, %swap3A_280], %swap3A_283 {strides = array<i32>} : memref<128x64xf32, #tpu.memory_space<vmem>>, vector<1x16xf32>,
      %swap3A_284 = arith.index_cast %add3A_278 : i32 to index
      %swap3A_285 = arith.constant 16 : index
      %swap3A_286 = tpu.vector_load %arg8[%swap3A_284, %swap3A_285] {strides = array<i32>} : memref<128x64xf32, #tpu.memory_space<vmem>>, vector<1x16xf32>,
      %swap3A_287 = vector.shape_cast %swap3A_286 : vector<1x16xf32> to vector<16xf32>
      %swap3A_288 = vector.shape_cast %parallel_loop3A_274#1 : vector<16xf32> to vector<1x16xf32>
      tpu.vector_store %arg8[%swap3A_284, %swap3A_285], %swap3A_288 {strides = array<i32>} : memref<128x64xf32, #tpu.memory_space<vmem>>, vector<1x16xf32>,
      %swap3A_289 = arith.index_cast %add3A_278 : i32 to index
      %swap3A_290 = arith.constant 32 : index
      %swap3A_291 = tpu.vector_load %arg8[%swap3A_289, %swap3A_290] {strides = array<i32>} : memref<128x64xf32, #tpu.memory_space<vmem>>, vector<1x16xf32>,
      %swap3A_292 = vector.shape_cast %swap3A_291 : vector<1x16xf32> to vector<16xf32>
      %swap3A_293 = vector.shape_cast %parallel_loop3A_274#2 : vector<16xf32> to vector<1x16xf32>
      tpu.vector_store %arg8[%swap3A_289, %swap3A_290], %swap3A_293 {strides = array<i32>} : memref<128x64xf32, #tpu.memory_space<vmem>>, vector<1x16xf32>,
      %swap3A_294 = arith.index_cast %add3A_278 : i32 to index
      %swap3A_295 = arith.constant 48 : index
      %swap3A_296 = tpu.vector_load %arg8[%swap3A_294, %swap3A_295] {strides = array<i32>} : memref<128x64xf32, #tpu.memory_space<vmem>>, vector<1x16xf32>,
      %swap3A_297 = vector.shape_cast %swap3A_296 : vector<1x16xf32> to vector<16xf32>
      %swap3A_298 = vector.shape_cast %parallel_loop3A_274#3 : vector<16xf32> to vector<1x16xf32>
      tpu.vector_store %arg8[%swap3A_294, %swap3A_295], %swap3A_298 {strides = array<i32>} : memref<128x64xf32, #tpu.memory_space<vmem>>, vector<1x16xf32>,
      %add3A_299 = arith.constant 4 : i32
      %add3A_300 = arith.addi %add3A_225, %add3A_299 : i32
      %lt3A_301 = arith.constant 64 : i32
      %lt3A_302 = arith.cmpi slt, %add3A_300, %lt3A_301 : i32
      %convert_element_type3A_303 = arith.extui %lt3A_302 : i1 to i32
      %cond3A_304 = arith.constant 0 : i32
      %cond3A_305 = arith.cmpi ne, %convert_element_type3A_303, %cond3A_304 : i32
      scf.if %cond3A_305 {
        %dma_start3A_390 = arith.constant 2 : i32
        %dma_start3A_391 = arith.constant 0 : i32
        %dma_start3A_392 = arith.constant 0 : i32
        %dma_start3A_393 = tpu.memref_slice %arg7[%dma_start3A_390, %dma_start3A_391, %dma_start3A_392] : memref<4x100x64xf32, #tpu.memory_space<vmem>> -> memref<1x100x64xf32, #tpu.memory_space<vmem>>
        %dma_start3A_394 = tpu.memref_squeeze %dma_start3A_393 : memref<1x100x64xf32, #tpu.memory_space<vmem>> -> memref<100x64xf32, #tpu.memory_space<vmem>>
        %dma_start3A_395 = arith.constant 0 : i32
        %dma_start3A_396 = tpu.memref_slice %arg6[%add3A_300, %dma_start3A_395] : memref<64x100xi32, #tpu.memory_space<vmem>> -> memref<1x100xi32, #tpu.memory_space<vmem>>
        %dma_start3A_397 = tpu.memref_squeeze %dma_start3A_396 : memref<1x100xi32, #tpu.memory_space<vmem>> -> memref<100xi32, #tpu.memory_space<vmem>>
        %dma_start3A_398 = arith.constant 0 : i32
        %dma_start3A_399 = arith.constant 0 : i32
        %dma_start3A_400 = tpu.memref_slice %arg3[%dma_start3A_398, %dma_start3A_399] : memref<2000000x64xf32, #tpu.memory_space<hbm>> -> memref<2000000x64xf32, #tpu.memory_space<hbm>>
        tpu.enqueue_indirect_dma source(%dma_start3A_400 : memref<2000000x64xf32, #tpu.memory_space<hbm>>) target(%dma_start3A_394 : memref<100x64xf32, #tpu.memory_space<vmem>>) offsets(%dma_start3A_397 : memref<100xi32, #tpu.memory_space<vmem>>) semaphore(%arg11 : memref<!tpu.dma_semaphore, #tpu.memory_space<semaphore_mem>>)
      } else {
      }
      %mul3A_306 = arith.constant 4 : i32
      %mul3A_307 = arith.muli %scan3A_59, %mul3A_306 : i32
      %add3A_308 = arith.constant 3 : i32
      %add3A_309 = arith.addi %mul3A_307, %add3A_308 : i32
      %dma_wait3A_310 = arith.constant 3 : i32
      %dma_wait3A_311 = arith.constant 0 : i32
      %dma_wait3A_312 = arith.constant 0 : i32
      %dma_wait3A_313 = tpu.memref_slice %arg7[%dma_wait3A_310, %dma_wait3A_311, %dma_wait3A_312] : memref<4x100x64xf32, #tpu.memory_space<vmem>> -> memref<1x100x64xf32, #tpu.memory_space<vmem>>
      %dma_wait3A_314 = tpu.memref_squeeze %dma_wait3A_313 : memref<1x100x64xf32, #tpu.memory_space<vmem>> -> memref<100x64xf32, #tpu.memory_space<vmem>>
      %dma_wait3A_315 = arith.constant 0 : i32
      %dma_wait3A_316 = tpu.memref_slice %arg6[%add3A_309, %dma_wait3A_315] : memref<64x100xi32, #tpu.memory_space<vmem>> -> memref<1x100xi32, #tpu.memory_space<vmem>>
      %dma_wait3A_317 = tpu.memref_squeeze %dma_wait3A_316 : memref<1x100xi32, #tpu.memory_space<vmem>> -> memref<100xi32, #tpu.memory_space<vmem>>
      %dma_wait3A_318 = arith.constant 0 : i32
      %dma_wait3A_319 = arith.constant 0 : i32
      %dma_wait3A_320 = tpu.memref_slice %arg3[%dma_wait3A_318, %dma_wait3A_319] : memref<2000000x64xf32, #tpu.memory_space<hbm>> -> memref<2000000x64xf32, #tpu.memory_space<hbm>>
      tpu.wait_indirect_dma semaphore(%arg12 : memref<!tpu.dma_semaphore, #tpu.memory_space<semaphore_mem>>) src(%dma_wait3A_320 : memref<2000000x64xf32, #tpu.memory_space<hbm>>) dst(%dma_wait3A_314 : memref<100x64xf32, #tpu.memory_space<vmem>>)
      %broadcast_in_dim3A_321 = arith.constant 0.000000e+00 : f32
      %broadcast_in_dim3A_322 = vector.broadcast %broadcast_in_dim3A_321 : f32 to vector<16xf32>
      %parallel_loop3A_323 = arith.constant 0 : i32
      %parallel_loop3A_324 = arith.constant 50 : i32
      %parallel_loop3A_325 = arith.constant 1 : i32
      %parallel_loop3A_326 = arith.constant 3 : i32
      %parallel_loop3A_327:4 = scf.for %parallel_loop3A_390 = %parallel_loop3A_323 to %parallel_loop3A_324 step %parallel_loop3A_325 iter_args(%parallel_loop3A_391 = %broadcast_in_dim3A_322, %parallel_loop3A_392 = %broadcast_in_dim3A_322, %parallel_loop3A_393 = %broadcast_in_dim3A_322, %parallel_loop3A_394 = %broadcast_in_dim3A_322) -> (vector<16xf32>, vector<16xf32>, vector<16xf32>, vector<16xf32>)  : i32 {
        %parallel_loop3A_395 = arith.constant 0 : i32
        %parallel_loop3A_396 = arith.addi %parallel_loop3A_395, %parallel_loop3A_390 : i32
        %parallel_loop3A_397 = arith.constant 0 : i32
        %parallel_loop3A_398 = arith.constant 0 : i32
        %parallel_loop3A_399 = tpu.memref_slice %arg7[%parallel_loop3A_326, %parallel_loop3A_397, %parallel_loop3A_398] : memref<4x100x64xf32, #tpu.memory_space<vmem>> -> memref<1x100x64xf32, #tpu.memory_space<vmem>>
        %parallel_loop3A_400 = tpu.memref_squeeze %parallel_loop3A_399 : memref<1x100x64xf32, #tpu.memory_space<vmem>> -> memref<100x64xf32, #tpu.memory_space<vmem>>
        %parallel_loop3A_401 = arith.index_cast %parallel_loop3A_396 : i32 to index
        %parallel_loop3A_402 = arith.constant 0 : index
        %parallel_loop3A_403 = tpu.vector_load %parallel_loop3A_400[%parallel_loop3A_401, %parallel_loop3A_402] {strides = array<i32>} : memref<100x64xf32, #tpu.memory_space<vmem>>, vector<1x16xf32>,
        %parallel_loop3A_404 = vector.shape_cast %parallel_loop3A_403 : vector<1x16xf32> to vector<16xf32>
        %parallel_loop3A_405 = arith.addf %parallel_loop3A_391, %parallel_loop3A_404 : vector<16xf32>
        %parallel_loop3A_406 = arith.constant 0 : i32
        %parallel_loop3A_407 = arith.addi %parallel_loop3A_406, %parallel_loop3A_390 : i32
        %parallel_loop3A_408 = arith.constant 0 : i32
        %parallel_loop3A_409 = arith.constant 0 : i32
        %parallel_loop3A_410 = tpu.memref_slice %arg7[%parallel_loop3A_326, %parallel_loop3A_408, %parallel_loop3A_409] : memref<4x100x64xf32, #tpu.memory_space<vmem>> -> memref<1x100x64xf32, #tpu.memory_space<vmem>>
        %parallel_loop3A_411 = tpu.memref_squeeze %parallel_loop3A_410 : memref<1x100x64xf32, #tpu.memory_space<vmem>> -> memref<100x64xf32, #tpu.memory_space<vmem>>
        %parallel_loop3A_412 = arith.index_cast %parallel_loop3A_407 : i32 to index
        %parallel_loop3A_413 = arith.constant 16 : index
        %parallel_loop3A_414 = tpu.vector_load %parallel_loop3A_411[%parallel_loop3A_412, %parallel_loop3A_413] {strides = array<i32>} : memref<100x64xf32, #tpu.memory_space<vmem>>, vector<1x16xf32>,
        %parallel_loop3A_415 = vector.shape_cast %parallel_loop3A_414 : vector<1x16xf32> to vector<16xf32>
        %parallel_loop3A_416 = arith.addf %parallel_loop3A_392, %parallel_loop3A_415 : vector<16xf32>
        %parallel_loop3A_417 = arith.constant 0 : i32
        %parallel_loop3A_418 = arith.addi %parallel_loop3A_417, %parallel_loop3A_390 : i32
        %parallel_loop3A_419 = arith.constant 0 : i32
        %parallel_loop3A_420 = arith.constant 0 : i32
        %parallel_loop3A_421 = tpu.memref_slice %arg7[%parallel_loop3A_326, %parallel_loop3A_419, %parallel_loop3A_420] : memref<4x100x64xf32, #tpu.memory_space<vmem>> -> memref<1x100x64xf32, #tpu.memory_space<vmem>>
        %parallel_loop3A_422 = tpu.memref_squeeze %parallel_loop3A_421 : memref<1x100x64xf32, #tpu.memory_space<vmem>> -> memref<100x64xf32, #tpu.memory_space<vmem>>
        %parallel_loop3A_423 = arith.index_cast %parallel_loop3A_418 : i32 to index
        %parallel_loop3A_424 = arith.constant 32 : index
        %parallel_loop3A_425 = tpu.vector_load %parallel_loop3A_422[%parallel_loop3A_423, %parallel_loop3A_424] {strides = array<i32>} : memref<100x64xf32, #tpu.memory_space<vmem>>, vector<1x16xf32>,
        %parallel_loop3A_426 = vector.shape_cast %parallel_loop3A_425 : vector<1x16xf32> to vector<16xf32>
        %parallel_loop3A_427 = arith.addf %parallel_loop3A_393, %parallel_loop3A_426 : vector<16xf32>
        %parallel_loop3A_428 = arith.constant 0 : i32
        %parallel_loop3A_429 = arith.addi %parallel_loop3A_428, %parallel_loop3A_390 : i32
        %parallel_loop3A_430 = arith.constant 0 : i32
        %parallel_loop3A_431 = arith.constant 0 : i32
        %parallel_loop3A_432 = tpu.memref_slice %arg7[%parallel_loop3A_326, %parallel_loop3A_430, %parallel_loop3A_431] : memref<4x100x64xf32, #tpu.memory_space<vmem>> -> memref<1x100x64xf32, #tpu.memory_space<vmem>>
        %parallel_loop3A_433 = tpu.memref_squeeze %parallel_loop3A_432 : memref<1x100x64xf32, #tpu.memory_space<vmem>> -> memref<100x64xf32, #tpu.memory_space<vmem>>
        %parallel_loop3A_434 = arith.index_cast %parallel_loop3A_429 : i32 to index
        %parallel_loop3A_435 = arith.constant 48 : index
        %parallel_loop3A_436 = tpu.vector_load %parallel_loop3A_433[%parallel_loop3A_434, %parallel_loop3A_435] {strides = array<i32>} : memref<100x64xf32, #tpu.memory_space<vmem>>, vector<1x16xf32>,
        %parallel_loop3A_437 = vector.shape_cast %parallel_loop3A_436 : vector<1x16xf32> to vector<16xf32>
        %parallel_loop3A_438 = arith.addf %parallel_loop3A_394, %parallel_loop3A_437 : vector<16xf32>
        scf.yield %parallel_loop3A_405, %parallel_loop3A_416, %parallel_loop3A_427, %parallel_loop3A_438 : vector<16xf32>, vector<16xf32>, vector<16xf32>, vector<16xf32>
      } {sc.loop_unroll_factor = 10 : i64, sc.parallel_access}
      %mul3A_328 = arith.constant 2 : i32
      %mul3A_329 = arith.muli %add3A_309, %mul3A_328 : i32
      %add3A_330 = arith.constant 0 : i32
      %add3A_331 = arith.addi %mul3A_329, %add3A_330 : i32
      %swap3A_332 = arith.index_cast %add3A_331 : i32 to index
      %swap3A_333 = arith.constant 0 : index
      %swap3A_334 = tpu.vector_load %arg8[%swap3A_332, %swap3A_333] {strides = array<i32>} : memref<128x64xf32, #tpu.memory_space<vmem>>, vector<1x16xf32>,
      %swap3A_335 = vector.shape_cast %swap3A_334 : vector<1x16xf32> to vector<16xf32>
      %swap3A_336 = vector.shape_cast %parallel_loop3A_327#0 : vector<16xf32> to vector<1x16xf32>
      tpu.vector_store %arg8[%swap3A_332, %swap3A_333], %swap3A_336 {strides = array<i32>} : memref<128x64xf32, #tpu.memory_space<vmem>>, vector<1x16xf32>,
      %swap3A_337 = arith.index_cast %add3A_331 : i32 to index
      %swap3A_338 = arith.constant 16 : index
      %swap3A_339 = tpu.vector_load %arg8[%swap3A_337, %swap3A_338] {strides = array<i32>} : memref<128x64xf32, #tpu.memory_space<vmem>>, vector<1x16xf32>,
      %swap3A_340 = vector.shape_cast %swap3A_339 : vector<1x16xf32> to vector<16xf32>
      %swap3A_341 = vector.shape_cast %parallel_loop3A_327#1 : vector<16xf32> to vector<1x16xf32>
      tpu.vector_store %arg8[%swap3A_337, %swap3A_338], %swap3A_341 {strides = array<i32>} : memref<128x64xf32, #tpu.memory_space<vmem>>, vector<1x16xf32>,
      %swap3A_342 = arith.index_cast %add3A_331 : i32 to index
      %swap3A_343 = arith.constant 32 : index
      %swap3A_344 = tpu.vector_load %arg8[%swap3A_342, %swap3A_343] {strides = array<i32>} : memref<128x64xf32, #tpu.memory_space<vmem>>, vector<1x16xf32>,
      %swap3A_345 = vector.shape_cast %swap3A_344 : vector<1x16xf32> to vector<16xf32>
      %swap3A_346 = vector.shape_cast %parallel_loop3A_327#2 : vector<16xf32> to vector<1x16xf32>
      tpu.vector_store %arg8[%swap3A_342, %swap3A_343], %swap3A_346 {strides = array<i32>} : memref<128x64xf32, #tpu.memory_space<vmem>>, vector<1x16xf32>,
      %swap3A_347 = arith.index_cast %add3A_331 : i32 to index
      %swap3A_348 = arith.constant 48 : index
      %swap3A_349 = tpu.vector_load %arg8[%swap3A_347, %swap3A_348] {strides = array<i32>} : memref<128x64xf32, #tpu.memory_space<vmem>>, vector<1x16xf32>,
      %swap3A_350 = vector.shape_cast %swap3A_349 : vector<1x16xf32> to vector<16xf32>
      %swap3A_351 = vector.shape_cast %parallel_loop3A_327#3 : vector<16xf32> to vector<1x16xf32>
      tpu.vector_store %arg8[%swap3A_347, %swap3A_348], %swap3A_351 {strides = array<i32>} : memref<128x64xf32, #tpu.memory_space<vmem>>, vector<1x16xf32>,
      %broadcast_in_dim3A_352 = arith.constant 0.000000e+00 : f32
      %broadcast_in_dim3A_353 = vector.broadcast %broadcast_in_dim3A_352 : f32 to vector<16xf32>
      %parallel_loop3A_354 = arith.constant 0 : i32
      %parallel_loop3A_355 = arith.constant 50 : i32
      %parallel_loop3A_356 = arith.constant 1 : i32
      %parallel_loop3A_357 = arith.constant 3 : i32
      %parallel_loop3A_358:4 = scf.for %parallel_loop3A_390 = %parallel_loop3A_354 to %parallel_loop3A_355 step %parallel_loop3A_356 iter_args(%parallel_loop3A_391 = %broadcast_in_dim3A_353, %parallel_loop3A_392 = %broadcast_in_dim3A_353, %parallel_loop3A_393 = %broadcast_in_dim3A_353, %parallel_loop3A_394 = %broadcast_in_dim3A_353) -> (vector<16xf32>, vector<16xf32>, vector<16xf32>, vector<16xf32>)  : i32 {
        %parallel_loop3A_395 = arith.constant 50 : i32
        %parallel_loop3A_396 = arith.addi %parallel_loop3A_395, %parallel_loop3A_390 : i32
        %parallel_loop3A_397 = arith.constant 0 : i32
        %parallel_loop3A_398 = arith.constant 0 : i32
        %parallel_loop3A_399 = tpu.memref_slice %arg7[%parallel_loop3A_357, %parallel_loop3A_397, %parallel_loop3A_398] : memref<4x100x64xf32, #tpu.memory_space<vmem>> -> memref<1x100x64xf32, #tpu.memory_space<vmem>>
        %parallel_loop3A_400 = tpu.memref_squeeze %parallel_loop3A_399 : memref<1x100x64xf32, #tpu.memory_space<vmem>> -> memref<100x64xf32, #tpu.memory_space<vmem>>
        %parallel_loop3A_401 = arith.index_cast %parallel_loop3A_396 : i32 to index
        %parallel_loop3A_402 = arith.constant 0 : index
        %parallel_loop3A_403 = tpu.vector_load %parallel_loop3A_400[%parallel_loop3A_401, %parallel_loop3A_402] {strides = array<i32>} : memref<100x64xf32, #tpu.memory_space<vmem>>, vector<1x16xf32>,
        %parallel_loop3A_404 = vector.shape_cast %parallel_loop3A_403 : vector<1x16xf32> to vector<16xf32>
        %parallel_loop3A_405 = arith.addf %parallel_loop3A_391, %parallel_loop3A_404 : vector<16xf32>
        %parallel_loop3A_406 = arith.constant 50 : i32
        %parallel_loop3A_407 = arith.addi %parallel_loop3A_406, %parallel_loop3A_390 : i32
        %parallel_loop3A_408 = arith.constant 0 : i32
        %parallel_loop3A_409 = arith.constant 0 : i32
        %parallel_loop3A_410 = tpu.memref_slice %arg7[%parallel_loop3A_357, %parallel_loop3A_408, %parallel_loop3A_409] : memref<4x100x64xf32, #tpu.memory_space<vmem>> -> memref<1x100x64xf32, #tpu.memory_space<vmem>>
        %parallel_loop3A_411 = tpu.memref_squeeze %parallel_loop3A_410 : memref<1x100x64xf32, #tpu.memory_space<vmem>> -> memref<100x64xf32, #tpu.memory_space<vmem>>
        %parallel_loop3A_412 = arith.index_cast %parallel_loop3A_407 : i32 to index
        %parallel_loop3A_413 = arith.constant 16 : index
        %parallel_loop3A_414 = tpu.vector_load %parallel_loop3A_411[%parallel_loop3A_412, %parallel_loop3A_413] {strides = array<i32>} : memref<100x64xf32, #tpu.memory_space<vmem>>, vector<1x16xf32>,
        %parallel_loop3A_415 = vector.shape_cast %parallel_loop3A_414 : vector<1x16xf32> to vector<16xf32>
        %parallel_loop3A_416 = arith.addf %parallel_loop3A_392, %parallel_loop3A_415 : vector<16xf32>
        %parallel_loop3A_417 = arith.constant 50 : i32
        %parallel_loop3A_418 = arith.addi %parallel_loop3A_417, %parallel_loop3A_390 : i32
        %parallel_loop3A_419 = arith.constant 0 : i32
        %parallel_loop3A_420 = arith.constant 0 : i32
        %parallel_loop3A_421 = tpu.memref_slice %arg7[%parallel_loop3A_357, %parallel_loop3A_419, %parallel_loop3A_420] : memref<4x100x64xf32, #tpu.memory_space<vmem>> -> memref<1x100x64xf32, #tpu.memory_space<vmem>>
        %parallel_loop3A_422 = tpu.memref_squeeze %parallel_loop3A_421 : memref<1x100x64xf32, #tpu.memory_space<vmem>> -> memref<100x64xf32, #tpu.memory_space<vmem>>
        %parallel_loop3A_423 = arith.index_cast %parallel_loop3A_418 : i32 to index
        %parallel_loop3A_424 = arith.constant 32 : index
        %parallel_loop3A_425 = tpu.vector_load %parallel_loop3A_422[%parallel_loop3A_423, %parallel_loop3A_424] {strides = array<i32>} : memref<100x64xf32, #tpu.memory_space<vmem>>, vector<1x16xf32>,
        %parallel_loop3A_426 = vector.shape_cast %parallel_loop3A_425 : vector<1x16xf32> to vector<16xf32>
        %parallel_loop3A_427 = arith.addf %parallel_loop3A_393, %parallel_loop3A_426 : vector<16xf32>
        %parallel_loop3A_428 = arith.constant 50 : i32
        %parallel_loop3A_429 = arith.addi %parallel_loop3A_428, %parallel_loop3A_390 : i32
        %parallel_loop3A_430 = arith.constant 0 : i32
        %parallel_loop3A_431 = arith.constant 0 : i32
        %parallel_loop3A_432 = tpu.memref_slice %arg7[%parallel_loop3A_357, %parallel_loop3A_430, %parallel_loop3A_431] : memref<4x100x64xf32, #tpu.memory_space<vmem>> -> memref<1x100x64xf32, #tpu.memory_space<vmem>>
        %parallel_loop3A_433 = tpu.memref_squeeze %parallel_loop3A_432 : memref<1x100x64xf32, #tpu.memory_space<vmem>> -> memref<100x64xf32, #tpu.memory_space<vmem>>
        %parallel_loop3A_434 = arith.index_cast %parallel_loop3A_429 : i32 to index
        %parallel_loop3A_435 = arith.constant 48 : index
        %parallel_loop3A_436 = tpu.vector_load %parallel_loop3A_433[%parallel_loop3A_434, %parallel_loop3A_435] {strides = array<i32>} : memref<100x64xf32, #tpu.memory_space<vmem>>, vector<1x16xf32>,
        %parallel_loop3A_437 = vector.shape_cast %parallel_loop3A_436 : vector<1x16xf32> to vector<16xf32>
        %parallel_loop3A_438 = arith.addf %parallel_loop3A_394, %parallel_loop3A_437 : vector<16xf32>
        scf.yield %parallel_loop3A_405, %parallel_loop3A_416, %parallel_loop3A_427, %parallel_loop3A_438 : vector<16xf32>, vector<16xf32>, vector<16xf32>, vector<16xf32>
      } {sc.loop_unroll_factor = 10 : i64, sc.parallel_access}
      %mul3A_359 = arith.constant 2 : i32
      %mul3A_360 = arith.muli %add3A_309, %mul3A_359 : i32
      %add3A_361 = arith.constant 1 : i32
      %add3A_362 = arith.addi %mul3A_360, %add3A_361 : i32
      %swap3A_363 = arith.index_cast %add3A_362 : i32 to index
      %swap3A_364 = arith.constant 0 : index
      %swap3A_365 = tpu.vector_load %arg8[%swap3A_363, %swap3A_364] {strides = array<i32>} : memref<128x64xf32, #tpu.memory_space<vmem>>, vector<1x16xf32>,
      %swap3A_366 = vector.shape_cast %swap3A_365 : vector<1x16xf32> to vector<16xf32>
      %swap3A_367 = vector.shape_cast %parallel_loop3A_358#0 : vector<16xf32> to vector<1x16xf32>
      tpu.vector_store %arg8[%swap3A_363, %swap3A_364], %swap3A_367 {strides = array<i32>} : memref<128x64xf32, #tpu.memory_space<vmem>>, vector<1x16xf32>,
      %swap3A_368 = arith.index_cast %add3A_362 : i32 to index
      %swap3A_369 = arith.constant 16 : index
      %swap3A_370 = tpu.vector_load %arg8[%swap3A_368, %swap3A_369] {strides = array<i32>} : memref<128x64xf32, #tpu.memory_space<vmem>>, vector<1x16xf32>,
      %swap3A_371 = vector.shape_cast %swap3A_370 : vector<1x16xf32> to vector<16xf32>
      %swap3A_372 = vector.shape_cast %parallel_loop3A_358#1 : vector<16xf32> to vector<1x16xf32>
      tpu.vector_store %arg8[%swap3A_368, %swap3A_369], %swap3A_372 {strides = array<i32>} : memref<128x64xf32, #tpu.memory_space<vmem>>, vector<1x16xf32>,
      %swap3A_373 = arith.index_cast %add3A_362 : i32 to index
      %swap3A_374 = arith.constant 32 : index
      %swap3A_375 = tpu.vector_load %arg8[%swap3A_373, %swap3A_374] {strides = array<i32>} : memref<128x64xf32, #tpu.memory_space<vmem>>, vector<1x16xf32>,
      %swap3A_376 = vector.shape_cast %swap3A_375 : vector<1x16xf32> to vector<16xf32>
      %swap3A_377 = vector.shape_cast %parallel_loop3A_358#2 : vector<16xf32> to vector<1x16xf32>
      tpu.vector_store %arg8[%swap3A_373, %swap3A_374], %swap3A_377 {strides = array<i32>} : memref<128x64xf32, #tpu.memory_space<vmem>>, vector<1x16xf32>,
      %swap3A_378 = arith.index_cast %add3A_362 : i32 to index
      %swap3A_379 = arith.constant 48 : index
      %swap3A_380 = tpu.vector_load %arg8[%swap3A_378, %swap3A_379] {strides = array<i32>} : memref<128x64xf32, #tpu.memory_space<vmem>>, vector<1x16xf32>,
      %swap3A_381 = vector.shape_cast %swap3A_380 : vector<1x16xf32> to vector<16xf32>
      %swap3A_382 = vector.shape_cast %parallel_loop3A_358#3 : vector<16xf32> to vector<1x16xf32>
      tpu.vector_store %arg8[%swap3A_378, %swap3A_379], %swap3A_382 {strides = array<i32>} : memref<128x64xf32, #tpu.memory_space<vmem>>, vector<1x16xf32>,
      %add3A_383 = arith.constant 4 : i32
      %add3A_384 = arith.addi %add3A_309, %add3A_383 : i32
      %lt3A_385 = arith.constant 64 : i32
      %lt3A_386 = arith.cmpi slt, %add3A_384, %lt3A_385 : i32
      %convert_element_type3A_387 = arith.extui %lt3A_386 : i1 to i32
      %cond3A_388 = arith.constant 0 : i32
      %cond3A_389 = arith.cmpi ne, %convert_element_type3A_387, %cond3A_388 : i32
      scf.if %cond3A_389 {
        %dma_start3A_390 = arith.constant 3 : i32
        %dma_start3A_391 = arith.constant 0 : i32
        %dma_start3A_392 = arith.constant 0 : i32
        %dma_start3A_393 = tpu.memref_slice %arg7[%dma_start3A_390, %dma_start3A_391, %dma_start3A_392] : memref<4x100x64xf32, #tpu.memory_space<vmem>> -> memref<1x100x64xf32, #tpu.memory_space<vmem>>
        %dma_start3A_394 = tpu.memref_squeeze %dma_start3A_393 : memref<1x100x64xf32, #tpu.memory_space<vmem>> -> memref<100x64xf32, #tpu.memory_space<vmem>>
        %dma_start3A_395 = arith.constant 0 : i32
        %dma_start3A_396 = tpu.memref_slice %arg6[%add3A_384, %dma_start3A_395] : memref<64x100xi32, #tpu.memory_space<vmem>> -> memref<1x100xi32, #tpu.memory_space<vmem>>
        %dma_start3A_397 = tpu.memref_squeeze %dma_start3A_396 : memref<1x100xi32, #tpu.memory_space<vmem>> -> memref<100xi32, #tpu.memory_space<vmem>>
        %dma_start3A_398 = arith.constant 0 : i32
        %dma_start3A_399 = arith.constant 0 : i32
        %dma_start3A_400 = tpu.memref_slice %arg3[%dma_start3A_398, %dma_start3A_399] : memref<2000000x64xf32, #tpu.memory_space<hbm>> -> memref<2000000x64xf32, #tpu.memory_space<hbm>>
        tpu.enqueue_indirect_dma source(%dma_start3A_400 : memref<2000000x64xf32, #tpu.memory_space<hbm>>) target(%dma_start3A_394 : memref<100x64xf32, #tpu.memory_space<vmem>>) offsets(%dma_start3A_397 : memref<100xi32, #tpu.memory_space<vmem>>) semaphore(%arg12 : memref<!tpu.dma_semaphore, #tpu.memory_space<semaphore_mem>>)
      } else {
      }
    }
    %scan3A_58 = arith.constant 16 : i32
    "tpu.region"() ({
      %run_scoped3A = tpu.sem_alloc : memref<!tpu.dma_semaphore, #tpu.memory_space<semaphore_mem>>
      %dma_start3A_59 = arith.constant 0 : i32
      %dma_start3A_60 = tpu.memref_slice %arg4[%multiple_of3A, %dma_start3A_59] : memref<4096x64xf32, #tpu.memory_space<hbm>> -> memref<128x64xf32, #tpu.memory_space<hbm>>
      %dma_start3A_61 = arith.constant 0 : i32
      %dma_start3A_62 = tpu.memref_slice %arg4[%multiple_of3A, %dma_start3A_61] : memref<4096x64xf32, #tpu.memory_space<hbm>> -> memref<128x64xf32, #tpu.memory_space<hbm>>
      tpu.enqueue_dma source(%arg8 : memref<128x64xf32, #tpu.memory_space<vmem>>) target(%dma_start3A_62 : memref<128x64xf32, #tpu.memory_space<hbm>>) target_semaphore(%run_scoped3A : memref<!tpu.dma_semaphore, #tpu.memory_space<semaphore_mem>>)
      %dma_wait3A = arith.constant 0 : i32
      %dma_wait3A_63 = tpu.memref_slice %arg4[%multiple_of3A, %dma_wait3A] : memref<4096x64xf32, #tpu.memory_space<hbm>> -> memref<128x64xf32, #tpu.memory_space<hbm>>
      %dma_wait3A_64 = arith.constant 0 : i32
      %dma_wait3A_65 = tpu.memref_slice %arg4[%multiple_of3A, %dma_wait3A_64] : memref<4096x64xf32, #tpu.memory_space<hbm>> -> memref<128x64xf32, #tpu.memory_space<hbm>>
      tpu.wait_dma2 semaphore(%run_scoped3A : memref<!tpu.dma_semaphore, #tpu.memory_space<semaphore_mem>>) src(%arg8 : memref<128x64xf32, #tpu.memory_space<vmem>>) dst(%dma_wait3A_65 : memref<128x64xf32, #tpu.memory_space<hbm>>)
      tpu.yield
    }) : () -> ()
    return
  }
}

module attributes {stable_mosaic.version = 14 : i64} {
  func.func @_proj_body(%arg0: i32, %arg1: memref<512x64xf32, #tpu.memory_space<vmem>>, %arg2: memref<1000x64xf32, #tpu.memory_space<vmem>>, %arg3: memref<1000x1xf32, #tpu.memory_space<vmem>>, %arg4: memref<1000x512xf32, #tpu.memory_space<vmem>>) attributes {dimension_semantics = [#tpu.dimension_semantics<arbitrary>], iteration_bounds = array<i64: 8>, scalar_prefetch = 0 : i64, scratch_operands = 0 : i64, tpu.core_type = #tpu.core_type<tc>, window_params = [{transform_indices = @transform_0, window_bounds = array<i64: 512, 64>}, {pipeline_mode = #tpu.pipeline_mode<synchronous>, transform_indices = @transform_1, window_bounds = array<i64: 1000, 64>}, {pipeline_mode = #tpu.pipeline_mode<synchronous>, transform_indices = @transform_2, window_bounds = array<i64: 1000, 1>}, {transform_indices = @transform_3, window_bounds = array<i64: 1000, 512>}]} {
    %get3A = arith.constant 0 : index
    %get3A_0 = arith.constant 0 : index
    %get3A_1 = vector.load %arg1[%get3A, %get3A_0] : memref<512x64xf32, #tpu.memory_space<vmem>>, vector<512x64xf32>
    %max3A = arith.constant 0.000000e+00 : f32
    %max3A_2 = vector.broadcast %max3A : f32 to vector<512x64xf32>
    %max3A_3 = arith.maximumf %get3A_1, %max3A_2 : vector<512x64xf32>
    %get3A_4 = arith.constant 0 : index
    %get3A_5 = arith.constant 0 : index
    %get3A_6 = vector.load %arg2[%get3A_4, %get3A_5] : memref<1000x64xf32, #tpu.memory_space<vmem>>, vector<1000x64xf32>
    %dot_general3A = arith.constant dense<0.000000e+00> : vector<1000x512xf32>
    %dot_general3A_7 = tpu.matmul %get3A_6, %max3A_3, %dot_general3A {dimension_numbers = #tpu.dot_dimension_numbers<[1], [1], [0], [0], [0, 0, 1, 0], [], []>, transpose_lhs_hint = false} : vector<1000x64xf32>, vector<512x64xf32>, vector<1000x512xf32> -> vector<1000x512xf32>
    %get3A_8 = arith.constant 0 : index
    %get3A_9 = arith.constant 0 : index
    %get3A_10 = vector.load %arg3[%get3A_8, %get3A_9] : memref<1000x1xf32, #tpu.memory_space<vmem>>, vector<1000x1xf32>
    %add3A = vector.broadcast %get3A_10 : vector<1000x1xf32> to vector<1000x512xf32>
    %add3A_11 = arith.addf %dot_general3A_7, %add3A : vector<1000x512xf32>
    %swap3A = arith.constant 0 : index
    %swap3A_12 = arith.constant 0 : index
    %swap3A_13 = vector.load %arg4[%swap3A, %swap3A_12] : memref<1000x512xf32, #tpu.memory_space<vmem>>, vector<1000x512xf32>
    tpu.vector_store %arg4[%swap3A, %swap3A_12], %add3A_11 {strides = array<i32>} : memref<1000x512xf32, #tpu.memory_space<vmem>>, vector<1000x512xf32>,
    return
  }
  func.func @transform_0(%arg0: i32) -> (i32, i32) {
    %c0_i32 = arith.constant 0 : i32
    %c0_i32_0 = arith.constant 0 : i32
    return %arg0, %c0_i32 : i32, i32
  }
  func.func @transform_1(%arg0: i32) -> (i32, i32) {
    %c0_i32 = arith.constant 0 : i32
    %c0_i32_0 = arith.constant 0 : i32
    %c0_i32_1 = arith.constant 0 : i32
    return %c0_i32, %c0_i32_0 : i32, i32
  }
  func.func @transform_2(%arg0: i32) -> (i32, i32) {
    %c0_i32 = arith.constant 0 : i32
    %c0_i32_0 = arith.constant 0 : i32
    %c0_i32_1 = arith.constant 0 : i32
    return %c0_i32, %c0_i32_0 : i32, i32
  }
  func.func @transform_3(%arg0: i32) -> (i32, i32) {
    %c0_i32 = arith.constant 0 : i32
    %c0_i32_0 = arith.constant 0 : i32
    return %c0_i32, %arg0 : i32, i32
  }
}

</mosaic_0001>

<sc_bundles>
// kernel: kernel.4.cloned.1.call-start
scs
__scs_entry_jumppad:
0x0: {  	(pc) =	sbr.rel $0x88, $3  }
0x1: {  	(tag) =	ssettag $0x0;
	lr =	simm.s32 $0x1  }
0x2: {  	[smem:$0x3F9D] =	sst lr;
	_ =	strace $0xD0000000  }
0x3: {  	_ = 	snop  }
0x4: {  	_ = 	snop  }
0x5: {  	_ = 	snop  }
0x6: {  	_ = 	snop  }
0x7: {  	_ = 	snop  }
__scs_overlays_trampoline_lowered:
0x8: {  	[smem:$0x3FAC] =	sst s0  }
0x9: {  	[smem:$0x3FAD] =	sst s1  }
0xa: {  	[smem:$0x3FAE] =	sst s2  }
0xb: {  	[smem:$0x3FAF] =	sst s3  }
0xc: {  	[smem:$0x3FB0] =	sst s4  }
0xd: {  	[smem:$0x3FB1] =	sst s5  }
0xe: {  	[smem:$0x3FB2] =	sst s6  }
0xf: {  	[smem:$0x3FB3] =	sst s7  }
0x10: {  	[smem:$0x3FB4] =	sst s8  }
0x11: {  	[smem:$0x3FB5] =	sst s9;
	s0 =	simm.s32 @!p0 $0x0  }
0x12: {  	s1 =	sld [smem:$0x3F9B];
	s0 =	simm.s32 @p0 $0x1  }
0x13: {  	[smem:$0x3FB6] =	sst s0;
	s0 =	simm.s32 @!p1 $0x0  }
0x14: {  	s2 =	sld [smem:$0x3F9A];
	s0 =	simm.s32 @p1 $0x1  }
0x15: {  	[smem:$0x3FB7] =	sst s0;
	s0 =	simm.s32 @!p2 $0x0  }
0x16: {  	s3 =	sld [smem:$0x3FDB];
	s0 =	simm.s32 @p2 $0x1  }
0x17: {  	s4 =	simm.s32 $0x1BF5;
	[smem:$0x3FB9] =	sst s0  }
0x18: {  	s0 =	sld [smem:$0x3F9C];
	_ =	swait.ge [sflag:s4], $0x0  }
0x19: {  	s7 =	sld [smem:$0x3F9D]  }
0x1a: {  	s8 =	sadd.s32 $0xFFFFE003, lr  }
0x1b: {  	s9 =	sadd.s32 $0xFFFFFEF7, lr;
	s5 =	simm.s32 $0xFFFFFFFF;
	p2 =	slt.u32 s8, $0xFFFFF086  }
0x1c: {  	p1 =	slt.u32 s9, $0xF7A;
	s5 =	simm.s32 @!p2 $0x0  }
0x1d: {  	s5 =	simm.s32 @p1 $0x1;
	p0 =	seq.s32 s7, s2  }
0x1e: {  	s7 =	smul.u32 @!p0 $0xF7A, s2;
	p2 =	seq.s32 @!p0 s5, $0x0  }
0x1f: {  	s9 =	smul.u32 $0xF7A, s1;
	s8 =	simm.s32 @!p0 $0x1BF5;
	p2 =	por !p2, p0  }
0x20: {  	[sflag:s8] =	ssyncset.s32 @!p0 $0xFFFFF086;
	s6 =	sadd.s32 @!p0 s3, s7;
	s7 =	simm.s32 @!p0 $0x108  }
0x21: {  	s3 =	sadd.s32 s3, s9;
	s6 =	sadd.s32 @!p0 $0x88, s6;
	s7 =	simm.s32 @p2 $0x1082  }
0x22: {  	[simem:s7], [sflag:s8] =	dma.local @!p0 [hbm:s6], $0xF7A  }
0x23: {  	s9 =	sor.u32 $0xD0000000, s2;
	s6 =	simm.s32 $0x108;
	_ =	swait.ge @!p0 [sflag:s8], $0x0  }
0x24: {  	s3 =	sadd.s32 $0x88, s3;
	s6 =	simm.s32 @!p1 $0x1082;
	[sflag:s4] =	ssyncset.s32 $0xFFFFF086  }
0x25: {  	[simem:s6], [sflag:s4] =	dma.local [hbm:s3], $0xF7A  }
0x26: {  	[smem:$0x3F9D] =	sst s1;
	(tag) =	ssettag s2;
	_ =	strace s9  }
0x27: {  	s1 =	sld [smem:$0x3FAD]  }
0x28: {  	s2 =	sld [smem:$0x3FAE]  }
0x29: {  	s4 =	sld [smem:$0x3FB0]  }
0x2a: {  	p0 =	seq.s32 s5, $0x0;
	s5 =	sld [smem:$0x3FB1]  }
0x2b: {  	s6 =	sld [smem:$0x3FB2]  }
0x2c: {  	s7 =	sld [smem:$0x3FB3]  }
0x2d: {  	s3 =	simm.s32 $0x108;
	s8 =	sld [smem:$0x3FB4]  }
0x2e: {  	s3 =	simm.s32 @!p0 $0x1082;
	s9 =	sld [smem:$0x3FB5]  }
0x2f: {  	lr =	sadd.s32 s0, s3;
	s0 =	sld [smem:$0x3FAC]  }
0x30: {  	s3 =	sld [smem:$0x3FAF]  }
0x31: {  	[smem:$0x3FB8] =	sst s10  }
0x32: {  	s10 =	sld [smem:$0x3FB6];
	_ =	sdelay $0x3  }
0x33: {  	p0 =	seq.s32 s10, $0x1;
	s10 =	sld [smem:$0x3FB8];
	_ =	sdelay $0x3  }
0x34: {  	[smem:$0x3FB8] =	sst s10  }
0x35: {  	s10 =	sld [smem:$0x3FB7];
	_ =	sdelay $0x3  }
0x36: {  	p1 =	seq.s32 s10, $0x1;
	s10 =	sld [smem:$0x3FB8];
	_ =	sdelay $0x3  }
0x37: {  	[smem:$0x3FB8] =	sst s10  }
0x38: {  	s10 =	sld [smem:$0x3FB9]  }
0x39: {  	_ = 	snop;
	(pc) =	sbr.ind lr, $3  }
0x3a: {  	_ = 	snop  }
0x3b: {  	_ = 	snop  }
0x3c: {  	p2 =	seq.s32 s10, $0x1;
	s10 =	sld [smem:$0x3FB8]  }
0x3d: {  	_ =	shalt  }
0x3e: {  	_ =	shalt  }
0x3f: {  	_ =	shalt  }
0x40: {  	_ =	shalt  }
0x41: {  	_ =	shalt  }
0x42: {  	_ =	shalt  }
0x43: {  	_ =	shalt  }
0x44: {  	_ =	shalt  }
0x45: {  	_ =	shalt  }
0x46: {  	_ =	shalt  }
0x47: {  	_ =	shalt  }
0x48: {  	_ =	shalt  }
0x49: {  	_ =	shalt  }
0x4a: {  	_ =	shalt  }
0x4b: {  	_ =	shalt  }
0x4c: {  	_ =	shalt  }
0x4d: {  	_ =	shalt  }
0x4e: {  	_ =	shalt  }
0x4f: {  	_ =	shalt  }
0x50: {  	_ =	shalt  }
0x51: {  	_ =	shalt  }
0x52: {  	_ =	shalt  }
0x53: {  	_ =	shalt  }
0x54: {  	_ =	shalt  }
0x55: {  	_ =	shalt  }
0x56: {  	_ =	shalt  }
0x57: {  	_ =	shalt  }
0x58: {  	_ =	shalt  }
0x59: {  	_ =	shalt  }
0x5a: {  	_ =	shalt  }
0x5b: {  	_ =	shalt  }
0x5c: {  	_ =	shalt  }
0x5d: {  	_ =	shalt  }
0x5e: {  	_ =	shalt  }
0x5f: {  	_ =	shalt  }
0x60: {  	_ =	shalt  }
0x61: {  	_ =	shalt  }
0x62: {  	_ =	shalt  }
0x63: {  	_ =	shalt  }
0x64: {  	_ =	shalt  }
0x65: {  	_ =	shalt  }
0x66: {  	_ =	shalt  }
0x67: {  	_ =	shalt  }
0x68: {  	_ =	shalt  }
0x69: {  	_ =	shalt  }
0x6a: {  	_ =	shalt  }
0x6b: {  	_ =	shalt  }
0x6c: {  	_ =	shalt  }
0x6d: {  	_ =	shalt  }
0x6e: {  	_ =	shalt  }
0x6f: {  	_ =	shalt  }
0x70: {  	_ =	shalt  }
0x71: {  	_ =	shalt  }
0x72: {  	_ =	shalt  }
0x73: {  	_ =	shalt  }
0x74: {  	_ =	shalt  }
0x75: {  	_ =	shalt  }
0x76: {  	_ =	shalt  }
0x77: {  	_ =	shalt  }
0x78: {  	_ =	shalt  }
0x79: {  	_ =	shalt  }
0x7a: {  	_ =	shalt  }
0x7b: {  	_ =	shalt  }
0x7c: {  	_ =	shalt  }
0x7d: {  	_ =	shalt  }
0x7e: {  	_ =	shalt  }
0x7f: {  	_ =	shalt  }
0x80: {  	_ =	shalt  }
0x81: {  	_ =	shalt  }
0x82: {  	_ =	shalt  }
0x83: {  	_ =	shalt  }
0x84: {  	_ =	shalt  }
0x85: {  	_ =	shalt  }
0x86: {  	_ =	shalt  }
0x87: {  	_ =	shalt  }
.Lfunc_end0:
.L_simem_size_0:
called_computation.1_lowered:
.L_overlay_start_0:
0x88: {  	s2 =	sld [smem:$0x3FD9]  }
0x89: {  	s3 =	sld [smem:$0x3FFE];
	_ =	sdelay $0x1  }
0x8a: {  	s1 =	srdreg.scid  }
0x8b: {  	s0 =	sand.u32 $0x1, s1  }
0x8c: {  	s17 =	sshll.u32 s0, $0xA;
	s2 =	sadd.s32 s3, s2  }
0x8d: {  	s2 =	sadd.s32 s2, s17  }
0x8e: {  	[smem:$0x3FC4] =	sst s2  }
0x8f: {  	_ = 	snop  }
0x90: {  	s2 =	sld [smem:$0x3FD0];
	(tm) =	ssettm $0x1  }
0x91: {  	s18 =	sld [smem:$0x3FFB];
	_ =	sdelay $0x3  }
0x92: {  	_ =	strace s18  }
0x93: {  	s3 =	sld [smem:$0x3FFC];
	_ =	sdelay $0x3  }
0x94: {  	_ =	strace s3  }
0x95: {  	s3 =	sld [smem:$0x3FFD];
	_ =	sdelay $0x3  }
0x96: {  	_ =	strace s3  }
0x97: {  	_ =	strace $0x8FFFFFFF  }
0x98: {  	s19 =	sld [smem:$0x3FDB];
	_ =	sdelay $0x1  }
0x99: {  	s4 =	simm.s32 $_scs_section_size  }
0x9a: {  	s5 =	simm.s32 $_size__tile_overlayer_lowered;
	s6 =	simm.s32 $_tile_overlayer_lowered  }
0x9b: {  	s22 =	simm.s32 $0x1BFF;
	s21 =	sshll.u32 s6, $0x1;
	s3 =	sadd.s32 s4, s19  }
0x9c: {  	s7 =	simm.s32 $0x0;
	s20 =	sshll.u32 s5, $0x1;
	s5 =	sadd.s32 s21, s3  }
0x9d: {  	[timem:s7], [sflag:s22] =	dma.local [hbm:s5], s20  }
0x9e: {  	_ =	swait.ge [sflag:s22], s20  }
0x9f: {  	s4 =	ssub.s32 $0x0, s20;
	[sflag:s22] =	ssyncset.done $0x0  }
0xa0: {  	[sflag:s22] =	ssyncadd.s32 s4;
	_ =	sdelay $0x1  }
0xa1: {  	s23 =	simm.s32 $0x1B8B  }
0xa2: {  	_ =	swait.ge [sflag:s23], $0x1  }
0xa3: {  	[sflag:s23] =	ssyncset.done $0x0  }
0xa4: {  	s25 =	simm.s32 $0x1B8E;
	s24 =	sld [smem:$0x3FFE];
	[sflag:s23] =	ssyncadd.s32 $0xFFFFFFFF  }
0xa5: {  	s26 =	simm.s32 $execute0_lowered;
	[smem:$0x3FD2] =	sst s25  }
0xa6: {  	s5 =	sshll.u32 s26, $0x1;
	_ =	strace $0x80000049;
	[dreg:$0x1] =	wrdreg $0xFFFFFFFF  }
0xa7: {  	s28 =	simm.s32 $_size_execute0_lowered;
	s3 =	sadd.s32 s3, s5;
	[dreg:$0x0] =	wrdreg $0x0  }
0xa8: {  	s5 =	sshll.u32 s28, $0x1;
	[dreg:$0x2] =	wrdreg s3  }
0xa9: {  	[dreg:$0x3] =	wrdreg s5  }
0xaa: {  	[dreg:$0x4] =	wrdreg $0xC0  }
0xab: {  	_ =	task [dreg:s7], $0x5FFFF  }
0xac: {  	[dreg:$0x1] =	wrdreg $0xFFFFFFFF  }
0xad: {  	[dreg:$0x0] =	wrdreg $0x60  }
0xae: {  	[dreg:$0x2] =	wrdreg s24  }
0xaf: {  	[dreg:$0x3] =	wrdreg s2  }
0xb0: {  	[dreg:$0x4] =	wrdreg $0x9  }
0xb1: {  	_ =	task.clear_ibuf [dreg:s7], $0x5FFFF;
	_ =	strace $0x90000049  }
0xb2: {  	s29 =	simm.s32 $0x9;
	_ =	strace $0x8000004B  }
0xb3: {  	_ =	swait.ge [sflag:s29], $0x1  }
0xb4: {  	[sflag:s29] =	ssyncadd.s32 $0xFFFFFFFF  }
0xb5: {  	_ =	strace $0x9000004B  }
0xb6: {  	_ =	sfence  }
0xb7: {  	s30 =	sld [smem:$0x0];
	_ =	sdelay $0x2  }
0xb8: {  	s31 =	sshll.u32 s1, $0xD;
	s1 =	sshrl.u32 s1, $0x2  }
0xb9: {  	s3 =	sand.u32 $0x4000, s31;
	s1 =	sadd.s32 s1, s30  }
0xba: {  	s0 =	sor.u32 s3, s0;
	s1 =	sshll.u32 s1, $0x11  }
0xbb: {  	s0 =	sor.u32 s1, s0  }
0xbc: {  	s0 =	sadd.s32 $0x8F2B, s0  }
0xbd: {  	[sflag:s0] =	ssyncadd.remote.s32 $0x1  }
0xbe: {  	_ =	sfence.sel $0xFFFF  }
0xbf: {  	[dreg:$0x0] =	wrdreg $0xFFFFFFFF;
	(pc) =	sbr.abs _section_cstart, $3  }
0xc0: {  	[dreg:$0x1] =	wrdreg $0xFFFFFFFF  }
0xc1: {  	_ =	task.clear_ibuf [dreg:s7], $0x2FFFF;
	_ =	strace $0x9FFFFFFF  }
0xc2: {  	(tm) =	ssettm $0x7FFFFFFF  }
0xc3: {  	_ =	shalt  }
tec
execute0_lowered:
.L_overlay_start_1:
0x0: {  	(tag) =	ssettag $0x1  }
0x1: {  	s1 =	srdreg.scid  }
0x2: {  	s3 =	rddreg [dreg:$0x0];
	s0 =	stileid.u32  }
0x3: {  	s5 =	rddreg [dreg:$0x1];
	s2 =	simm.s32 $0x0;
	s9 =	simm.s32 $0x1C00  }
0x4: {  	s10 =	simm.s32 $0x3600;
	s11 =	simm.s32 $0x1C68;
	s12 =	simm.s32 $0x4F00  }
0x5: {  	s13 =	simm.s32 $0x1CD0;
	s14 =	simm.s32 $0x6800;
	s15 =	simm.s32 $0x1D38  }
0x6: {  	s16 =	simm.s32 $0x8100;
	s17 =	simm.s32 $0x1;
	s18 =	simm.s32 $0x2  }
0x7: {  	s19 =	simm.s32 $0x3;
	s20 =	simm.s32 $0x4;
	s21 =	simm.s32 $0x9A00  }
0x8: {  	s22 =	simm.s32 $0x0;
	s4 =	sand.u32 $0x1, s1;
	s1 =	rddreg [dreg:$0x2]  }
0x9: {  	s6 =	sshll.u32 s0, $0x8;
	[smem:$0x7FF] =	sst s2;
	s7 =	sshll.u32 s4, $0x7  }
.Ltmp0:
0xa: {  	s4 =	ssub.s32 $0x2, s4;
	s6 =	sor.u32 s7, s6;
	(pc) =	sbr.rel .LBB2_1-.Ltmp0, $4  }
0xb: {  	s8 =	sshrl.u32 s4, $0x1;
	s7 =	smul.u32 $0x7, s6;
	s6 =	sshll.u32 s6, $0x3  }
0xc: {  	_ =	strace $0x8000004A;
	s8 =	ssub.s32 s4, s8;
	s5 =	sadd.s32 s5, s6  }
0xd: {  	s6 =	smax.u32 s8, $0x1;
	s8 =	simm.s32 $0x64;
	s7 =	sadd.s32 s7, s3  }
0xe: {  	s3 =	sadd.s32 $0xF4A200, s3;
	s4 =	sadd.s32 $0xF43200, s7;
	s7 =	simm.s32 $0x5  }
.LBB2_22:
0xf: {  	s22 =	sadd.s32 $0x1, s22  }
0x10: {  	p0 =	sne.s32 s22, s6  }
.Ltmp1:
0x11: {  	_ = 	snop;
	(pc) =	sbr.rel @!p0 .LBB2_23-.Ltmp1, $4  }
0x12: {  	[hbm4b:s5+s2] =	stream.linear.scatter [tilespmem:s21], [sflag:$0x5], $0x2000, $0x38;
	[tilespmem:$0xBA00] =	vst v63  }
0x13: {  	_ =	swait.ge [sflag:s7], $0x2000  }
0x14: {  	[sflag:s7] =	ssyncset.done $0x0  }
0x15: {  	[sflag:s7] =	ssyncadd.s32 $0xFFFFE000  }
.LBB2_1:
0x16: {  	[tilespmem:s2], [sflag:$0x5] =	stream.linear.gather [hbm4b:s4+s2], $0x1C00, $0x38;
	[tilespmem:$0xBA00] =	vst v63  }
0x17: {  	_ =	swait.ge [sflag:s7], $0x1C00  }
0x18: {  	[sflag:s7] =	ssyncset.done $0x0  }
0x19: {  	s25 =	simm.s32 $0x70;
	[sflag:s7] =	ssyncadd.s32 $0xFFFFE400  }
0x1a: {  	v0 =	vld [tilespmem:s25+$0x38]  }
0x1b: {  	v1 =	vld [tilespmem:s25+$0xFFFFFFC8];
	_ =	sdelay $0x3  }
0x1c: {  	v2 =	vld [tilespmem:s25+$0x0];
	v0 =	vshll.u32 v0, $0x1  }
0x1d: {  	v3 =	vld [tilespmem:s25+$0xFFFFFF90];
	v1 =	vshll.u32 v1, $0x1;
	[tilespmem:s11+$0x32] =	vst v0  }
0x1e: {  	[tilespmem:s11+$0xFFFFFFCA] =	vst v1;
	v0 =	vld [tilespmem:s25+$0x48]  }
0x1f: {  	v1 =	vld [tilespmem:s25+$0xFFFFFFD8];
	_ =	sdelay $0x1  }
0x20: {  	s23 =	simm.s32 $0x150;
	v2 =	vshll.u32 v2, $0x1  }
0x21: {  	v4 =	vld [tilespmem:s23+$0x38];
	v3 =	vshll.u32 v3, $0x1;
	[tilespmem:s11+$0x0] =	vst v2  }
0x22: {  	[tilespmem:s11+$0xFFFFFF98] =	vst v3;
	v2 =	vld [tilespmem:s25+$0x10];
	v0 =	vshll.u32 v0, $0x1  }
0x23: {  	v3 =	vld [tilespmem:s25+$0xFFFFFFA0];
	v1 =	vshll.u32 v1, $0x1;
	[tilespmem:s11+$0x42] =	vst v0  }
0x24: {  	[tilespmem:s11+$0xFFFFFFDA] =	vst v1;
	v0 =	vld [tilespmem:s25+$0x58]  }
0x25: {  	v1 =	vld [tilespmem:s25+$0xFFFFFFE8]  }
0x26: {  	v5 =	vld [tilespmem:s23+$0xFFFFFFC8]  }
0x27: {  	v2 =	vshll.u32 v2, $0x1  }
0x28: {  	v3 =	vshll.u32 v3, $0x1;
	[tilespmem:s11+$0x10] =	vst v2;
	v2 =	vld [tilespmem:s23+$0x0]  }
0x29: {  	[tilespmem:s11+$0xFFFFFFA8] =	vst v3;
	v3 =	vld [tilespmem:s23+$0xFFFFFF90];
	v0 =	vshll.u32 v0, $0x1  }
0x2a: {  	v6 =	vld [tilespmem:s25+$0xFFFFFFB0];
	v1 =	vshll.u32 v1, $0x1;
	[tilespmem:s11+$0x52] =	vst v0  }
0x2b: {  	s24 =	simm.s32 $0x1D38;
	v0 =	vshll.u32 v4, $0x1;
	[tilespmem:s11+$0xFFFFFFEA] =	vst v1;
	v4 =	vshll.u32 v5, $0x1;
	v5 =	vld [tilespmem:s25+$0x20]  }
0x2c: {  	v1 =	vld [tilespmem:s25+$0x5A];
	[tilespmem:s24+$0x32] =	vst v0  }
0x2d: {  	[tilespmem:s24+$0xFFFFFFCA] =	vst v4;
	v0 =	vshll.u32 v2, $0x1;
	v2 =	vld [tilespmem:s23+$0x48]  }
0x2e: {  	v3 =	vshll.u32 v3, $0x1;
	v4 =	vld [tilespmem:s23+$0xFFFFFFD8];
	[tilespmem:s24+$0x0] =	vst v0  }
0x2f: {  	[tilespmem:s24+$0xFFFFFF98] =	vst v3;
	v0 =	vshll.u32 v6, $0x1;
	v3 =	vld [tilespmem:s23+$0x10]  }
0x30: {  	v6 =	vld [tilespmem:s23+$0xFFFFFFA0];
	[tilespmem:s11+$0xFFFFFFB8] =	vst v0;
	v5 =	vshll.u32 v5, $0x1  }
0x31: {  	v0 =	vld [tilespmem:s25+$0xFFFFFFB2];
	v1 =	vshll.u32 v1, $0x1;
	[tilespmem:s11+$0x20] =	vst v5  }
0x32: {  	[tilespmem:s11+$0x54] =	vst v1;
	v2 =	vshll.u32 v2, $0x1;
	v1 =	vld [tilespmem:s25+$0xFFFFFFEA]  }
0x33: {  	v4 =	vshll.u32 v4, $0x1;
	[tilespmem:s24+$0x42] =	vst v2;
	v2 =	vld [tilespmem:s25+$0x22]  }
0x34: {  	[tilespmem:s24+$0xFFFFFFDA] =	vst v4;
	v7 =	vshll.u32 v3, $0x1;
	v4 =	vld [tilespmem:s23+$0x58]  }
0x35: {  	s26 =	simm.s32 $0x4;
	s28 =	simm.s32 $0x230;
	v5 =	vshll.u32 v6, $0x1;
	s25 =	simm.s32 $0x1C68;
	v3 =	vld [tilespmem:s23+$0xFFFFFFE8];
	[tilespmem:s24+$0x10] =	vst v7  }
.LBB2_2:
0x36: {  	v6 =	vld [tilespmem:s28+$0x38];
	s26 =	sadd.s32 $0x4, s26;
	[tilespmem:s24+$0xFFFFFFA8] =	vst v5;
	v0 =	vshll.u32 v0, $0x1  }
0x37: {  	v5 =	vld [tilespmem:s28+$0xFFFFFFC8];
	p0 =	slt.u32 s26, $0x7C;
	[tilespmem:s25+$0xFFFFFFBA] =	vst v0;
	v0 =	vshll.u32 v1, $0x1  }
0x38: {  	v1 =	vld [tilespmem:s28+$0x0];
	[tilespmem:s25+$0xFFFFFFEC] =	vst v0;
	v0 =	vshll.u32 v2, $0x1  }
0x39: {  	v2 =	vld [tilespmem:s28+$0xFFFFFF90];
	v4 =	vshll.u32 v4, $0x1;
	[tilespmem:s25+$0x22] =	vst v0;
	s25 =	smov.u32 s24  }
0x3a: {  	v0 =	vld [tilespmem:s23+$0xFFFFFFB0];
	v3 =	vshll.u32 v3, $0x1;
	[tilespmem:s24+$0x52] =	vst v4  }
0x3b: {  	s24 =	sadd.s32 $0xD0, s24;
	v4 =	vshll.u32 v6, $0x1;
	[tilespmem:s25+$0xFFFFFFEA] =	vst v3;
	v3 =	vld [tilespmem:s23+$0x5A]  }
0x3c: {  	v5 =	vshll.u32 v5, $0x1;
	[tilespmem:s24+$0x32] =	vst v4;
	v4 =	vld [tilespmem:s23+$0x20]  }
0x3d: {  	[tilespmem:s24+$0xFFFFFFCA] =	vst v5;
	v1 =	vshll.u32 v1, $0x1;
	v5 =	vld [tilespmem:s28+$0x48]  }
0x3e: {  	v2 =	vshll.u32 v2, $0x1;
	v6 =	vld [tilespmem:s28+$0xFFFFFFD8];
	[tilespmem:s24+$0x0] =	vst v1  }
0x3f: {  	[tilespmem:s24+$0xFFFFFF98] =	vst v2;
	v7 =	vld [tilespmem:s28+$0x10];
	v0 =	vshll.u32 v0, $0x1  }
0x40: {  	v8 =	vld [tilespmem:s28+$0xFFFFFFA0];
	[tilespmem:s25+$0xFFFFFFB8] =	vst v0;
	v1 =	vshll.u32 v3, $0x1  }
.Ltmp2:
0x41: {  	v0 =	vld [tilespmem:s23+$0xFFFFFFB2];
	v2 =	vshll.u32 v4, $0x1;
	[tilespmem:s25+$0x54] =	vst v1;
	(pc) =	sbr.rel @p0 .LBB2_2-.Ltmp2, $4  }
0x42: {  	v3 =	vshll.u32 v5, $0x1;
	v1 =	vld [tilespmem:s23+$0xFFFFFFEA];
	[tilespmem:s25+$0x20] =	vst v2  }
0x43: {  	v4 =	vshll.u32 v6, $0x1;
	[tilespmem:s24+$0x42] =	vst v3;
	v2 =	vld [tilespmem:s23+$0x22];
	s23 =	smov.u32 s28  }
0x44: {  	[tilespmem:s24+$0xFFFFFFDA] =	vst v4;
	v6 =	vshll.u32 v7, $0x1;
	v4 =	vld [tilespmem:s28+$0x58]  }
0x45: {  	s28 =	sadd.s32 $0xE0, s28;
	v5 =	vshll.u32 v8, $0x1;
	v3 =	vld [tilespmem:s23+$0xFFFFFFE8];
	[tilespmem:s24+$0x10] =	vst v6  }
0x46: {  	[tilespmem:s24+$0xFFFFFFA8] =	vst v5;
	v6 =	vld [tilespmem:s23+$0x20]  }
0x47: {  	v5 =	vld [tilespmem:s23+$0xFFFFFFB0];
	_ =	sdelay $0x1  }
0x48: {  	v4 =	vshll.u32 v4, $0x1  }
0x49: {  	[tilespmem:s24+$0x52] =	vst v4;
	v3 =	vshll.u32 v3, $0x1  }
0x4a: {  	v53 =	vld [tilespmem:s23+$0x5A];
	[tilespmem:s24+$0xFFFFFFEA] =	vst v3;
	v55 =	vshll.u32 v6, $0x1  }
0x4b: {  	v52 =	vshll.u32 v5, $0x1;
	[tilespmem:s24+$0x20] =	vst v55;
	v56 =	vld [tilespmem:s23+$0xFFFFFFEA]  }
0x4c: {  	v0 =	vshll.u32 v0, $0x1;
	[tilespmem:s24+$0xFFFFFFB8] =	vst v52;
	v58 =	vld [tilespmem:s23+$0x22]  }
0x4d: {  	[tilespmem:s25+$0xFFFFFFBA] =	vst v0;
	v57 =	vshll.u32 v1, $0x1;
	v54 =	vld [tilespmem:s23+$0xFFFFFFB2]  }
0x4e: {  	[tilespmem:s25+$0xFFFFFFEC] =	vst v57;
	v59 =	vshll.u32 v2, $0x1  }
0x4f: {  	[tilespmem:s25+$0x22] =	vst v59;
	v60 =	vshll.u32 v53, $0x1  }
0x50: {  	[tilespmem:s24+$0x54] =	vst v60;
	v62 =	vshll.u32 v56, $0x1  }
0x51: {  	[tilespmem:s24+$0xFFFFFFEC] =	vst v62;
	v63 =	vshll.u32 v58, $0x1  }
0x52: {  	v61 =	vshll.u32 v54, $0x1;
	[tilespmem:s24+$0x22] =	vst v63  }
0x53: {  	[tilespmem:s24+$0xFFFFFFBA] =	vst v61  }
0x54: {  	[tilespmem:s10], [sflag:$0x1] =	stream.indirect.gather [hbm4b:s3+s8], $0x40, s9, s8, $0xb8;
	[tilespmem:$0xBA00] =	vst v63  }
0x55: {  	_ = 	snop  }
0x56: {  	[tilespmem:s12], [sflag:$0x2] =	stream.indirect.gather [hbm4b:s3+s8], $0x40, s11, s8, $0xb8;
	[tilespmem:$0xBA00] =	vst v63  }
0x57: {  	_ = 	snop  }
0x58: {  	[tilespmem:s14], [sflag:$0x3] =	stream.indirect.gather [hbm4b:s3+s8], $0x40, s13, s8, $0xb8;
	[tilespmem:$0xBA00] =	vst v63  }
0x59: {  	s23 =	simm.s32 $0x0  }
0x5a: {  	[tilespmem:s16], [sflag:$0x4] =	stream.indirect.gather [hbm4b:s3+s8], $0x40, s15, s8, $0xb8;
	[tilespmem:$0xBA00] =	vst v63  }
.LBB2_4:
0x5b: {  	_ =	swait.ge [sflag:s17], $0x1900  }
0x5c: {  	[sflag:s17] =	ssyncset.done $0x0  }
0x5d: {  	s25 =	simm.s32 $0x0;
	[sflag:s17] =	ssyncadd.s32 $0xFFFFE700  }
0x5e: {  	v1 =	vld [tilespmem:s25+$0x3630]  }
0x5f: {  	v2 =	vld [tilespmem:s25+$0x3600]  }
0x60: {  	v0 =	vimm.f32 $0.0e+00;
	v3 =	vld [tilespmem:s25+$0x3610]  }
0x61: {  	s24 =	simm.s32 $0x100;
	v7 =	vimm.f32 $0.0e+00;
	v6 =	vimm.f32 $0.0e+00;
	v5 =	vimm.f32 $0.0e+00;
	v4 =	vld [tilespmem:s25+$0x3620]  }
.LBB2_5:
0x62: {  	p0 =	sne.s32 s24, $0x3100  }
.Ltmp3:
0x63: {  	s25 =	sshra.s32 s24, $0x2;
	s24 =	sadd.s32 $0x100, s24;
	v0 =	vadd.f32 v1, v0;
	(pc) =	sbr.rel @p0 .LBB2_5-.Ltmp3, $4  }
0x64: {  	v1 =	vld [tilespmem:s25+$0x3630];
	v7 =	vadd.f32 v2, v7  }
0x65: {  	v2 =	vld [tilespmem:s25+$0x3600];
	v6 =	vadd.f32 v3, v6  }
0x66: {  	v3 =	vld [tilespmem:s25+$0x3610];
	v5 =	vadd.f32 v4, v5  }
0x67: {  	v4 =	vld [tilespmem:s25+$0x3620]  }
0x68: {  	_ = 	snop  }
0x69: {  	s24 =	sshll.u32 s23, $0xB;
	v0 =	vadd.f32 v1, v0  }
0x6a: {  	s24 =	sshra.s32 s24, $0x2;
	v2 =	vadd.f32 v2, v7  }
0x6b: {  	v3 =	vadd.f32 v3, v6;
	[tilespmem:s24+$0x9A30] =	vst v0  }
0x6c: {  	v4 =	vadd.f32 v4, v5;
	[tilespmem:s24+$0x9A00] =	vst v2  }
0x6d: {  	[tilespmem:s24+$0x9A10] =	vst v3  }
0x6e: {  	s26 =	simm.s32 $0x0;
	[tilespmem:s24+$0x9A20] =	vst v4  }
0x6f: {  	v1 =	vld [tilespmem:s26+$0x42B0]  }
0x70: {  	v2 =	vld [tilespmem:s26+$0x4280]  }
0x71: {  	v7 =	vimm.f32 $0.0e+00;
	v3 =	vld [tilespmem:s26+$0x4290]  }
0x72: {  	s25 =	simm.s32 $0x100;
	v0 =	vimm.f32 $0.0e+00;
	v6 =	vimm.f32 $0.0e+00;
	v5 =	vimm.f32 $0.0e+00;
	v4 =	vld [tilespmem:s26+$0x42A0]  }
.LBB2_7:
0x73: {  	p0 =	sne.s32 s25, $0x3100  }
.Ltmp4:
0x74: {  	s26 =	sshra.s32 s25, $0x2;
	s25 =	sadd.s32 $0x100, s25;
	v0 =	vadd.f32 v1, v0;
	(pc) =	sbr.rel @p0 .LBB2_7-.Ltmp4, $4  }
0x75: {  	v1 =	vld [tilespmem:s26+$0x42B0];
	v6 =	vadd.f32 v2, v6  }
0x76: {  	v2 =	vld [tilespmem:s26+$0x4280];
	v7 =	vadd.f32 v3, v7  }
0x77: {  	v3 =	vld [tilespmem:s26+$0x4290];
	v5 =	vadd.f32 v4, v5  }
0x78: {  	v4 =	vld [tilespmem:s26+$0x42A0]  }
0x79: {  	_ = 	snop  }
0x7a: {  	v0 =	vadd.f32 v1, v0  }
0x7b: {  	p0 =	seq.s32 s23, $0xF;
	v2 =	vadd.f32 v2, v6  }
0x7c: {  	s25 =	smul.u32 @!p0 $0x680, s23;
	v3 =	vadd.f32 v3, v7;
	[tilespmem:s24+$0x9A70] =	vst v0  }
0x7d: {  	v4 =	vadd.f32 v4, v5;
	[tilespmem:s24+$0x9A40] =	vst v2  }
0x7e: {  	s25 =	sshra.s32 @!p0 s25, $0x2;
	[tilespmem:s24+$0x9A50] =	vst v3  }
0x7f: {  	s28 =	simm.s32 @!p0 $0x64;
	s29 =	simm.s32 @!p0 $0x3600;
	s26 =	sadd.s32 @!p0 $0x1DA0, s25;
	[tilespmem:s24+$0x9A60] =	vst v4  }
0x80: {  	[tilespmem:s29], [sflag:$0x1] =	stream.indirect.gather @!p0 [hbm4b:s3+s28], $0x40, s26, s28, $0xb8;
	[tilespmem:$0xBA00] =	vst v63  }
0x81: {  	_ =	swait.ge [sflag:s18], $0x1900  }
0x82: {  	[sflag:s18] =	ssyncset.done $0x0  }
0x83: {  	s31 =	simm.s32 $0x0;
	[sflag:s18] =	ssyncadd.s32 $0xFFFFE700  }
0x84: {  	v1 =	vld [tilespmem:s31+$0x4F30]  }
0x85: {  	v2 =	vld [tilespmem:s31+$0x4F00]  }
0x86: {  	v6 =	vimm.f32 $0.0e+00;
	v3 =	vld [tilespmem:s31+$0x4F10]  }
0x87: {  	v0 =	vimm.f32 $0.0e+00;
	v7 =	vimm.f32 $0.0e+00;
	v5 =	vimm.f32 $0.0e+00;
	s26 =	simm.s32 $0x100;
	v4 =	vld [tilespmem:s31+$0x4F20]  }
.LBB2_9:
0x88: {  	p1 =	sne.s32 s26, $0x3100  }
.Ltmp5:
0x89: {  	s28 =	sshra.s32 s26, $0x2;
	s26 =	sadd.s32 $0x100, s26;
	v0 =	vadd.f32 v1, v0;
	(pc) =	sbr.rel @p1 .LBB2_9-.Ltmp5, $4  }
0x8a: {  	v1 =	vld [tilespmem:s28+$0x4F30];
	v5 =	vadd.f32 v2, v5  }
0x8b: {  	v2 =	vld [tilespmem:s28+$0x4F00];
	v6 =	vadd.f32 v3, v6  }
0x8c: {  	v3 =	vld [tilespmem:s28+$0x4F10];
	v7 =	vadd.f32 v4, v7  }
0x8d: {  	v4 =	vld [tilespmem:s28+$0x4F20]  }
0x8e: {  	_ = 	snop  }
0x8f: {  	v0 =	vadd.f32 v1, v0  }
0x90: {  	v2 =	vadd.f32 v2, v5  }
0x91: {  	v3 =	vadd.f32 v3, v6;
	[tilespmem:s24+$0x9AB0] =	vst v0  }
0x92: {  	v4 =	vadd.f32 v4, v7;
	[tilespmem:s24+$0x9A80] =	vst v2  }
0x93: {  	[tilespmem:s24+$0x9A90] =	vst v3  }
0x94: {  	s28 =	simm.s32 $0x0;
	[tilespmem:s24+$0x9AA0] =	vst v4  }
0x95: {  	v1 =	vld [tilespmem:s28+$0x5BB0]  }
0x96: {  	v2 =	vld [tilespmem:s28+$0x5B80]  }
0x97: {  	v5 =	vimm.f32 $0.0e+00;
	v3 =	vld [tilespmem:s28+$0x5B90]  }
0x98: {  	s26 =	simm.s32 $0x100;
	v0 =	vimm.f32 $0.0e+00;
	v6 =	vimm.f32 $0.0e+00;
	v7 =	vimm.f32 $0.0e+00;
	v4 =	vld [tilespmem:s28+$0x5BA0]  }
.LBB2_11:
0x99: {  	p1 =	sne.s32 s26, $0x3100  }
.Ltmp6:
0x9a: {  	s28 =	sshra.s32 s26, $0x2;
	s26 =	sadd.s32 $0x100, s26;
	v0 =	vadd.f32 v1, v0;
	(pc) =	sbr.rel @p1 .LBB2_11-.Ltmp6, $4  }
0x9b: {  	v1 =	vld [tilespmem:s28+$0x5BB0];
	v5 =	vadd.f32 v2, v5  }
0x9c: {  	v2 =	vld [tilespmem:s28+$0x5B80];
	v6 =	vadd.f32 v3, v6  }
0x9d: {  	v3 =	vld [tilespmem:s28+$0x5B90];
	v7 =	vadd.f32 v4, v7  }
0x9e: {  	v4 =	vld [tilespmem:s28+$0x5BA0]  }
0x9f: {  	_ = 	snop  }
0xa0: {  	v0 =	vadd.f32 v1, v0  }
0xa1: {  	v2 =	vadd.f32 v2, v5  }
0xa2: {  	v3 =	vadd.f32 v3, v6;
	[tilespmem:s24+$0x9AF0] =	vst v0  }
0xa3: {  	v4 =	vadd.f32 v4, v7;
	[tilespmem:s24+$0x9AC0] =	vst v2  }
0xa4: {  	[tilespmem:s24+$0x9AD0] =	vst v3  }
0xa5: {  	s26 =	sadd.s32 @!p0 $0x1E08, s25;
	s28 =	simm.s32 @!p0 $0x64;
	s29 =	simm.s32 @!p0 $0x4F00;
	[tilespmem:s24+$0x9AE0] =	vst v4  }
0xa6: {  	[tilespmem:s29], [sflag:$0x2] =	stream.indirect.gather @!p0 [hbm4b:s3+s28], $0x40, s26, s28, $0xb8;
	[tilespmem:$0xBA00] =	vst v63  }
0xa7: {  	_ =	swait.ge [sflag:s19], $0x1900  }
0xa8: {  	[sflag:s19] =	ssyncset.done $0x0  }
0xa9: {  	s31 =	simm.s32 $0x0;
	[sflag:s19] =	ssyncadd.s32 $0xFFFFE700  }
0xaa: {  	v1 =	vld [tilespmem:s31+$0x6830]  }
0xab: {  	v2 =	vld [tilespmem:s31+$0x6800]  }
0xac: {  	v5 =	vimm.f32 $0.0e+00;
	v3 =	vld [tilespmem:s31+$0x6810]  }
0xad: {  	v0 =	vimm.f32 $0.0e+00;
	v6 =	vimm.f32 $0.0e+00;
	v7 =	vimm.f32 $0.0e+00;
	s26 =	simm.s32 $0x100;
	v4 =	vld [tilespmem:s31+$0x6820]  }
.LBB2_13:
0xae: {  	p1 =	sne.s32 s26, $0x3100  }
.Ltmp7:
0xaf: {  	s28 =	sshra.s32 s26, $0x2;
	s26 =	sadd.s32 $0x100, s26;
	v0 =	vadd.f32 v1, v0;
	(pc) =	sbr.rel @p1 .LBB2_13-.Ltmp7, $4  }
0xb0: {  	v1 =	vld [tilespmem:s28+$0x6830];
	v5 =	vadd.f32 v2, v5  }
0xb1: {  	v2 =	vld [tilespmem:s28+$0x6800];
	v6 =	vadd.f32 v3, v6  }
0xb2: {  	v3 =	vld [tilespmem:s28+$0x6810];
	v7 =	vadd.f32 v4, v7  }
0xb3: {  	v4 =	vld [tilespmem:s28+$0x6820]  }
0xb4: {  	_ = 	snop  }
0xb5: {  	v0 =	vadd.f32 v1, v0  }
0xb6: {  	v2 =	vadd.f32 v2, v5  }
0xb7: {  	v3 =	vadd.f32 v3, v6;
	[tilespmem:s24+$0x9B30] =	vst v0  }
0xb8: {  	v4 =	vadd.f32 v4, v7;
	[tilespmem:s24+$0x9B00] =	vst v2  }
0xb9: {  	[tilespmem:s24+$0x9B10] =	vst v3  }
0xba: {  	s28 =	simm.s32 $0x0;
	[tilespmem:s24+$0x9B20] =	vst v4  }
0xbb: {  	v1 =	vld [tilespmem:s28+$0x74B0]  }
0xbc: {  	v2 =	vld [tilespmem:s28+$0x7480]  }
0xbd: {  	v5 =	vimm.f32 $0.0e+00;
	v3 =	vld [tilespmem:s28+$0x7490]  }
0xbe: {  	s26 =	simm.s32 $0x100;
	v0 =	vimm.f32 $0.0e+00;
	v6 =	vimm.f32 $0.0e+00;
	v7 =	vimm.f32 $0.0e+00;
	v4 =	vld [tilespmem:s28+$0x74A0]  }
.LBB2_15:
0xbf: {  	p1 =	sne.s32 s26, $0x3100  }
.Ltmp8:
0xc0: {  	s28 =	sshra.s32 s26, $0x2;
	s26 =	sadd.s32 $0x100, s26;
	v0 =	vadd.f32 v1, v0;
	(pc) =	sbr.rel @p1 .LBB2_15-.Ltmp8, $4  }
0xc1: {  	v1 =	vld [tilespmem:s28+$0x74B0];
	v5 =	vadd.f32 v2, v5  }
0xc2: {  	v2 =	vld [tilespmem:s28+$0x7480];
	v6 =	vadd.f32 v3, v6  }
0xc3: {  	v3 =	vld [tilespmem:s28+$0x7490];
	v7 =	vadd.f32 v4, v7  }
0xc4: {  	v4 =	vld [tilespmem:s28+$0x74A0]  }
0xc5: {  	_ = 	snop  }
0xc6: {  	v0 =	vadd.f32 v1, v0  }
0xc7: {  	v2 =	vadd.f32 v2, v5  }
0xc8: {  	v3 =	vadd.f32 v3, v6;
	[tilespmem:s24+$0x9B70] =	vst v0  }
0xc9: {  	v4 =	vadd.f32 v4, v7;
	[tilespmem:s24+$0x9B40] =	vst v2  }
0xca: {  	[tilespmem:s24+$0x9B50] =	vst v3  }
0xcb: {  	s25 =	sadd.s32 @!p0 $0x1E70, s25;
	s26 =	simm.s32 @!p0 $0x64;
	s28 =	simm.s32 @!p0 $0x6800;
	[tilespmem:s24+$0x9B60] =	vst v4  }
0xcc: {  	[tilespmem:s28], [sflag:$0x3] =	stream.indirect.gather @!p0 [hbm4b:s3+s26], $0x40, s25, s26, $0xb8;
	[tilespmem:$0xBA00] =	vst v63  }
0xcd: {  	_ =	swait.ge [sflag:s20], $0x1900  }
0xce: {  	[sflag:s20] =	ssyncset.done $0x0  }
0xcf: {  	s31 =	simm.s32 $0x0;
	[sflag:s20] =	ssyncadd.s32 $0xFFFFE700  }
0xd0: {  	v1 =	vld [tilespmem:s31+$0x8130]  }
0xd1: {  	v2 =	vld [tilespmem:s31+$0x8100]  }
0xd2: {  	v5 =	vimm.f32 $0.0e+00;
	v3 =	vld [tilespmem:s31+$0x8110]  }
0xd3: {  	v0 =	vimm.f32 $0.0e+00;
	v6 =	vimm.f32 $0.0e+00;
	v7 =	vimm.f32 $0.0e+00;
	s25 =	simm.s32 $0x100;
	v4 =	vld [tilespmem:s31+$0x8120]  }
.LBB2_17:
0xd4: {  	p1 =	sne.s32 s25, $0x3100  }
.Ltmp9:
0xd5: {  	s26 =	sshra.s32 s25, $0x2;
	s25 =	sadd.s32 $0x100, s25;
	v0 =	vadd.f32 v1, v0;
	(pc) =	sbr.rel @p1 .LBB2_17-.Ltmp9, $4  }
0xd6: {  	v1 =	vld [tilespmem:s26+$0x8130];
	v5 =	vadd.f32 v2, v5  }
0xd7: {  	v2 =	vld [tilespmem:s26+$0x8100];
	v6 =	vadd.f32 v3, v6  }
0xd8: {  	v3 =	vld [tilespmem:s26+$0x8110];
	v7 =	vadd.f32 v4, v7  }
0xd9: {  	v4 =	vld [tilespmem:s26+$0x8120]  }
0xda: {  	_ = 	snop  }
0xdb: {  	v0 =	vadd.f32 v1, v0  }
0xdc: {  	v2 =	vadd.f32 v2, v5  }
0xdd: {  	v3 =	vadd.f32 v3, v6;
	[tilespmem:s24+$0x9BB0] =	vst v0  }
0xde: {  	v4 =	vadd.f32 v4, v7;
	[tilespmem:s24+$0x9B80] =	vst v2  }
0xdf: {  	[tilespmem:s24+$0x9B90] =	vst v3  }
0xe0: {  	s26 =	simm.s32 $0x0;
	[tilespmem:s24+$0x9BA0] =	vst v4  }
0xe1: {  	v1 =	vld [tilespmem:s26+$0x8DB0]  }
0xe2: {  	v2 =	vld [tilespmem:s26+$0x8D80]  }
0xe3: {  	v5 =	vimm.f32 $0.0e+00;
	v3 =	vld [tilespmem:s26+$0x8D90]  }
0xe4: {  	s25 =	simm.s32 $0x100;
	v0 =	vimm.f32 $0.0e+00;
	v6 =	vimm.f32 $0.0e+00;
	v7 =	vimm.f32 $0.0e+00;
	v4 =	vld [tilespmem:s26+$0x8DA0]  }
.LBB2_19:
0xe5: {  	p1 =	sne.s32 s25, $0x3100  }
.Ltmp10:
0xe6: {  	s26 =	sshra.s32 s25, $0x2;
	s25 =	sadd.s32 $0x100, s25;
	v0 =	vadd.f32 v1, v0;
	(pc) =	sbr.rel @p1 .LBB2_19-.Ltmp10, $4  }
0xe7: {  	v1 =	vld [tilespmem:s26+$0x8DB0];
	v5 =	vadd.f32 v2, v5  }
0xe8: {  	v2 =	vld [tilespmem:s26+$0x8D80];
	v6 =	vadd.f32 v3, v6  }
0xe9: {  	v3 =	vld [tilespmem:s26+$0x8D90];
	v7 =	vadd.f32 v4, v7  }
0xea: {  	v4 =	vld [tilespmem:s26+$0x8DA0]  }
0xeb: {  	_ = 	snop  }
0xec: {  	v0 =	vadd.f32 v1, v0  }
.Ltmp11:
0xed: {  	v2 =	vadd.f32 v2, v5;
	(pc) =	sbr.rel @p0 .LBB2_22-.Ltmp11, $4  }
0xee: {  	v3 =	vadd.f32 v3, v6;
	[tilespmem:s24+$0x9BF0] =	vst v0  }
0xef: {  	v4 =	vadd.f32 v4, v7;
	[tilespmem:s24+$0x9BC0] =	vst v2  }
0xf0: {  	[tilespmem:s24+$0x9BD0] =	vst v3  }
0xf1: {  	[tilespmem:s24+$0x9BE0] =	vst v4  }
0xf2: {  	s24 =	smul.u32 $0x680, s23  }
.Ltmp12:
0xf3: {  	_ = 	snop;
	(pc) =	sbr.rel .LBB2_4-.Ltmp12, $4  }
0xf4: {  	_ = 	snop  }
0xf5: {  	s24 =	sshra.s32 s24, $0x2  }
0xf6: {  	s23 =	sadd.s32 $0x1, s23;
	s24 =	sadd.s32 $0x1ED8, s24  }
0xf7: {  	[tilespmem:s16], [sflag:$0x4] =	stream.indirect.gather [hbm4b:s3+s8], $0x40, s24, s8, $0xb8;
	[tilespmem:$0xBA00] =	vst v63  }
.LBB2_23:
0xf8: {  	_ =	sfence.sel $0x180000  }
0xf9: {  	[bflag:$0x0] =	sbarrier.arrive $0xFFFF  }
0xfa: {  	p0 =	sne.s32 s0, $0x0;
	_ =	strace $0x9000004A  }
0xfb: {  	s0 =	sadd.s32 @!p0 $0x100000, s1;
	[bflag:$0x2] =	sbarrier.arrive $0xFFFF  }
0xfc: {  	[sflag:s0] =	ssyncadd.tile.s32 @!p0 $0x1;
	_ =	shalt  }
.Lfunc_end2:
_tile_overlayer_lowered:
.L_overlay_start_2:
0xfd: {  	(tag) =	ssettag $0x2  }
0xfe: {  	s0 =	rddreg [dreg:$0x0];
	s2 =	stileid.u32  }
0xff: {  	s1 =	rddreg [dreg:$0x1];
	p0 =	sne.s32 s2, $0x0  }
0x100: {  	s3 =	rddreg [dreg:$0x2];
	[bflag:$0x3] =	sbarrier.arrive $0xFFFF;
	s2 =	simm.s32 @!p0 $0x1C05  }
0x101: {  	[timem:s3], [sflag:s2] =	dma.local @!p0 [hbm:s0], s1  }
0x102: {  	s0 =	simm.s32 @!p0 $0x5  }
0x103: {  	_ =	swait.ge @!p0 [sflag:s0], s1  }
0x104: {  	s1 =	ssub.s32 @!p0 $0x0, s1;
	[sflag:s0] =	ssyncset.done @!p0 $0x0  }
0x105: {  	[sflag:s0] =	ssyncadd.s32 @!p0 s1  }
0x106: {  	[bflag:$0x3] =	sbarrier.arrive $0xFFFF  }
0x107: {  	_ =	shalt  }

// kernel: sparse-core-data-format-call.cloned.1.call-start
scs
called_computation_lowered:
.L_overlay_start_0:
0x0: {  	s2 =	sld [smem:$0x3FD9]  }
0x1: {  	s3 =	sld [smem:$0x3FFE];
	_ =	sdelay $0x1  }
0x2: {  	s1 =	srdreg.scid  }
0x3: {  	s0 =	sand.u32 $0x1, s1  }
0x4: {  	s18 =	sshll.u32 s0, $0xA;
	s2 =	sadd.s32 s3, s2  }
0x5: {  	s2 =	sadd.s32 s2, s18  }
0x6: {  	[smem:$0x3FC4] =	sst s2  }
0x7: {  	_ = 	snop  }
0x8: {  	s2 =	sld [smem:$0x3FC8];
	(tm) =	ssettm $0x1  }
0x9: {  	s19 =	sld [smem:$0x3FFB];
	_ =	sdelay $0x3  }
0xa: {  	_ =	strace s19  }
0xb: {  	s3 =	sld [smem:$0x3FFC];
	_ =	sdelay $0x3  }
0xc: {  	_ =	strace s3  }
0xd: {  	s3 =	sld [smem:$0x3FFD];
	_ =	sdelay $0x3  }
0xe: {  	_ =	strace s3  }
0xf: {  	_ =	strace $0x8FFFFFFF  }
0x10: {  	s20 =	sld [smem:$0x3FDB];
	_ =	sdelay $0x1  }
0x11: {  	s4 =	simm.s32 $_scs_section_size  }
0x12: {  	s5 =	simm.s32 $_size__tile_overlayer_lowered;
	s6 =	simm.s32 $_tile_overlayer_lowered  }
0x13: {  	s23 =	simm.s32 $0x1BFF;
	s22 =	sshll.u32 s6, $0x1;
	s3 =	sadd.s32 s4, s20  }
0x14: {  	s7 =	simm.s32 $0x0;
	s21 =	sshll.u32 s5, $0x1;
	s5 =	sadd.s32 s22, s3  }
0x15: {  	[timem:s7], [sflag:s23] =	dma.local [hbm:s5], s21  }
0x16: {  	_ =	swait.ge [sflag:s23], s21  }
0x17: {  	s4 =	ssub.s32 $0x0, s21;
	[sflag:s23] =	ssyncset.done $0x0  }
0x18: {  	[sflag:s23] =	ssyncadd.s32 s4;
	_ =	sdelay $0x1  }
0x19: {  	s24 =	simm.s32 $0x1B8B  }
0x1a: {  	_ =	swait.ge [sflag:s24], $0x1  }
0x1b: {  	[sflag:s24] =	ssyncset.done $0x0  }
0x1c: {  	s26 =	simm.s32 $0x1B8E;
	s25 =	sld [smem:$0x3FFE];
	[sflag:s24] =	ssyncadd.s32 $0xFFFFFFFF  }
0x1d: {  	s27 =	simm.s32 $execute0_lowered;
	[smem:$0x3FD2] =	sst s26  }
0x1e: {  	s5 =	sshll.u32 s27, $0x1;
	_ =	strace $0x80000046;
	[dreg:$0x1] =	wrdreg $0xFFFFFFFF  }
0x1f: {  	s28 =	simm.s32 $_size_execute0_lowered;
	s3 =	sadd.s32 s3, s5;
	[dreg:$0x0] =	wrdreg $0x0  }
0x20: {  	s5 =	sshll.u32 s28, $0x1;
	[dreg:$0x2] =	wrdreg s3  }
0x21: {  	[dreg:$0x3] =	wrdreg s5  }
0x22: {  	[dreg:$0x4] =	wrdreg $0xC0  }
0x23: {  	_ =	task [dreg:s7], $0x5FFFF  }
0x24: {  	[dreg:$0x1] =	wrdreg $0xFFFFFFFF  }
0x25: {  	[dreg:$0x0] =	wrdreg $0x60  }
0x26: {  	[dreg:$0x2] =	wrdreg s2  }
0x27: {  	[dreg:$0x3] =	wrdreg s25  }
0x28: {  	[dreg:$0x4] =	wrdreg $0x9  }
0x29: {  	_ =	task.clear_ibuf [dreg:s7], $0x5FFFF;
	_ =	strace $0x90000046  }
0x2a: {  	s29 =	simm.s32 $0x9;
	_ =	strace $0x80000048  }
0x2b: {  	_ =	swait.ge [sflag:s29], $0x1  }
0x2c: {  	[sflag:s29] =	ssyncadd.s32 $0xFFFFFFFF  }
0x2d: {  	_ =	strace $0x90000048  }
0x2e: {  	_ =	sfence  }
0x2f: {  	s30 =	sld [smem:$0x0];
	_ =	sdelay $0x2  }
0x30: {  	s31 =	sshll.u32 s1, $0xD;
	s1 =	sshrl.u32 s1, $0x2  }
0x31: {  	s3 =	sand.u32 $0x4000, s31;
	s1 =	sadd.s32 s1, s30  }
0x32: {  	s0 =	sor.u32 s3, s0;
	s1 =	sshll.u32 s1, $0x11  }
0x33: {  	s0 =	sor.u32 s1, s0  }
0x34: {  	s0 =	sadd.s32 $0x8F2B, s0  }
0x35: {  	[sflag:s0] =	ssyncadd.remote.s32 $0x1  }
0x36: {  	_ =	sfence.sel $0xFFFF  }
0x37: {  	[dreg:$0x0] =	wrdreg $0xFFFFFFFF;
	(pc) =	sbr.abs _section_cstart, $3  }
0x38: {  	[dreg:$0x1] =	wrdreg $0xFFFFFFFF  }
0x39: {  	_ =	task.clear_ibuf [dreg:s7], $0x2FFFF;
	_ =	strace $0x9FFFFFFF  }
0x3a: {  	(tm) =	ssettm $0x7FFFFFFF  }
0x3b: {  	_ =	shalt  }
tec
execute0_lowered:
.L_overlay_start_1:
0x0: {  	(tag) =	ssettag $0x1  }
0x1: {  	s0 =	srdreg.scid;
	s2 =	rddreg [dreg:$0x0]  }
0x2: {  	s5 =	rddreg [dreg:$0x1];
	s1 =	stileid.u32  }
0x3: {  	s4 =	simm.s32 $0x1;
	s6 =	simm.s32 $0x2;
	s15 =	simm.s32 $0x0  }
0x4: {  	p0 =	por $0x0, $0x0;
	s8 =	simm.s32 $0x80;
	s0 =	sshll.u32 s0, $0x4  }
0x5: {  	s14 =	simm.s32 $0x0;
	s9 =	simm.s32 $0x0;
	s3 =	sand.u32 $0x10, s0  }
.Ltmp0:
0x6: {  	s10 =	simm.s32 $0x0;
	s3 =	sor.u32 s1, s3;
	(pc) =	sbr.rel .LBB1_1-.Ltmp0, $4  }
0x7: {  	s0 =	rddreg [dreg:$0x2];
	_ =	strace $0x80000047;
	s3 =	sshll.u32 s3, $0x7  }
0x8: {  	s12 =	simm.s32 $0x0;
	[sflag:s4] =	ssyncpa.u1 $0x0;
	s7 =	ssub.s32 $0xF4200, s3  }
0x9: {  	s13 =	simm.s32 $0x0;
	[sflag:s6] =	ssyncpa.u1 $0x0;
	s6 =	sshrl.u32 s7, $0xC  }
0xa: {  	s5 =	sadd.s32 $0xE00, s5;
	s11 =	smov.u32 s3;
	s7 =	sadd.s32 $0x2, s6  }
.LBB1_5:
0xb: {  	p1 =	slt.u32 s13, $0x2  }
0xc: {  	s17 =	smov.u32 s15;
	p2 =	sgt.s32 @!p1 s15, $0xF41C0;
	s16 =	sshra.s32 @!p1 s15, $0x1F  }
0xd: {  	p3 =	sgt.s32 @!p1 s14, $0x40;
	s18 =	sshra.s32 @!p1 s14, $0x1F;
	p2 =	por !p2, p1  }
0xe: {  	s15 =	sand.u32 @!p1 s16, s15;
	p3 =	por !p3, p1;
	s16 =	smov.u32 s14  }
0xf: {  	s14 =	sand.u32 @!p1 s18, s14;
	s17 =	simm.s32 @p2 $0xF41C0;
	s16 =	simm.s32 @p3 $0x40  }
0x10: {  	s15 =	ssub.s32 @!p1 s17, s15;
	s14 =	ssub.s32 @!p1 s16, s14  }
0x11: {  	s18 =	smov.u32 s12;
	s16 =	sadd.s32 @!p1 $0xFFF0BE40, s15;
	s17 =	sadd.s32 @!p1 $0xFFFFFFC0, s14  }
0x12: {  	s15 =	ssub.s32 @!p1 $0xF4240, s15;
	p2 =	sgt.s32 @!p1 s16, $0x7F;
	p3 =	sgt.s32 @!p1 s17, $0x3F  }
0x13: {  	s14 =	ssub.s32 @!p1 $0x80, s14;
	p2 =	por !p2, p1;
	p3 =	por !p3, p1  }
0x14: {  	s16 =	sadd.s32 $0x1000, s11;
	s15 =	simm.s32 @!p2 $0x0;
	s14 =	simm.s32 @!p3 $0x0  }
0x15: {  	p2 =	sgt.s32 s16, $0xF423F;
	s14 =	smul.u32 @!p1 s14, s15;
	s15 =	sadd.s32 $0x40, s12  }
0x16: {  	s18 =	smov.u32 @p2 s15  }
0x17: {  	s16 =	smov.u32 @p2 s3;
	p2 =	sgt.s32 s18, $0x3F  }
0x18: {  	s18 =	simm.s32 @p2 $0x0;
	p2 =	sne.s32 s13, s7  }
.Ltmp1:
0x19: {  	p0 =	por !p0, !p0;
	s17 =	simm.s32 @!p1 $0x2;
	(pc) =	sbr.rel @!p2 .LBB1_6-.Ltmp1, $4  }
0x1a: {  	s15 =	smov.u32 s9;
	s9 =	smov.u32 s11;
	s14 =	sand.u32 @!p1 $0x3FFFFFFF, s14  }
0x1b: {  	s11 =	smov.u32 s16;
	_ =	swait.ge @!p1 [sflag:s17], s14;
	s19 =	ssub.s32 @!p1 $0x0, s14  }
0x1c: {  	s14 =	smov.u32 s10;
	s13 =	sadd.s32 $0x1, s13;
	[sflag:s17] =	ssyncset.done @!p1 $0x0  }
0x1d: {  	s10 =	smov.u32 s12;
	s12 =	smov.u32 s18;
	[sflag:s17] =	ssyncadd.s32 @!p1 s19  }
.LBB1_1:
0x1e: {  	p1 =	sgt.u32 s13, s6  }
0x1f: {  	s16 =	sshrl.u32 @!p1 s12, $0x3  }
0x20: {  	s17 =	sshll.u32 @!p1 s11, $0x3;
	s16 =	smul.u32 @!p1 $0x7A1400, s16  }
0x21: {  	s18 =	sshll.u32 @!p1 s12, $0x7;
	s17 =	sand.u32 @!p1 $0xFFFFFC00, s17  }
0x22: {  	s16 =	sadd.s32 @!p1 s16, s17;
	s17 =	sand.u32 @!p1 $0x380, s18  }
0x23: {  	s18 =	sand.u32 @!p1 $0x7F, s11;
	s16 =	sor.u32 @!p1 s17, s16  }
0x24: {  	s17 =	sor.u32 @!p1 s18, s16  }
0x25: {  	s18 =	smulhi.u32 @!p1 $0x218D6287, s17;
	_ =	sdelay $0x1  }
0x26: {  	s16 =	smulhi.u32 @!p1 $0x218D6287, s16;
	s18 =	sshrl.u32 @!p1 s18, $0x11  }
0x27: {  	s18 =	smul.u32 @!p1 $0xF4280, s18  }
0x28: {  	s19 =	sxor.u32 @!p1 $0xFFFFFFFF, s13;
	s16 =	sshrl.u32 @!p1 s16, $0x11  }
0x29: {  	s19 =	sshll.u32 @!p1 s19, $0xD;
	s16 =	sand.u32 @!p1 $0x3F, s16;
	s17 =	ssub.s32 @!p1 s17, s18  }
0x2a: {  	s16 =	smul.u32 @!p1 $0x1E850, s16;
	s18 =	sshrl.u32 @!p1 s17, $0x3;
	s17 =	sand.u32 @!p1 $0x7, s17  }
0x2b: {  	s19 =	sand.u32 @!p1 $0x2000, s19;
	s18 =	sadd.s32 @!p1 s2, s18;
	s17 =	sshll.u32 @!p1 s17, $0x12  }
0x2c: {  	s16 =	sadd.s32 @!p1 s16, s18;
	s17 =	sor.u32 @!p1 $0x400, s17;
	s18 =	simm.s32 @!p1 $0x7A1400  }
0x2d: {  	[tilespmem:s19], [sflag:$0x1] =	stream.strided.gather @!p1 [hbm4b:s16+s17], $0x2000, s18, s17, $0x38;
	[tilespmem:$0x8100] =	vst v63  }
0x2e: {  	p1 =	seq.s32 s13, $0x0  }
0x2f: {  	p2 =	sge.u32 @!p1 s13, s7  }
0x30: {  	p1 =	por p1, p2  }
.Ltmp2:
0x31: {  	_ = 	snop;
	(pc) =	sbr.rel @p1 .LBB1_5-.Ltmp2, $1  }
0x32: {  	_ =	sdelay $0x3  }
0x33: {  	s16 =	simm.s32 $0x1  }
0x34: {  	_ =	swait.ge [sflag:s4], $0x2000;
	s16 =	simm.s32 @!p0 $0x0  }
0x35: {  	[sflag:s4] =	ssyncset.done $0x0;
	s17 =	sshll.u32 s16, $0xD  }
0x36: {  	[sflag:s4] =	ssyncadd.s32 $0xFFFFE000;
	s17 =	sor.u32 $0x40, s17  }
0x37: {  	s16 =	smul.u32 $0x8200, s16;
	v0 =	vld [tilespmem:s17+$0x30]  }
0x38: {  	v1 =	vld [tilespmem:s17+$0xFFFFFFD0]  }
0x39: {  	s16 =	sshrl.u32 s16, $0x2;
	v5 =	vld [tilespmem:s17+$0xFFFFFFE0]  }
0x3a: {  	v6 =	vld [tilespmem:s17+$0xFFFFFFF0];
	s19 =	sor.u32 $0x4000, s16  }
0x3b: {  	s31 =	sand.u32 $0x1, s13;
	v4 =	vld [tilespmem:s17+$0x0];
	s18 =	sadd.s32 $0x0, s19  }
0x3c: {  	v3 =	vld [tilespmem:s17+$0x10];
	s16 =	smul.u32 $0x8200, s31;
	[tilespmem:s18+$0x1C70 ss:$0x41] =	vst.msk $0xffff, v0  }
0x3d: {  	v2 =	vld [tilespmem:s17+$0x20];
	[tilespmem:s18+$0x410 ss:$0x41] =	vst.msk $0xffff, v1  }
0x3e: {  	s16 =	sshrl.u32 s16, $0x2;
	v1 =	vld [tilespmem:s17+$0xFFFFFFC0];
	[tilespmem:s18+$0x820 ss:$0x41] =	vst.msk $0xffff, v5;
	s17 =	sadd.s32 $0x80, s17  }
0x3f: {  	s20 =	simm.s32 $0x4;
	s21 =	simm.s32 $0x8;
	s16 =	sor.u32 $0x4000, s16;
	[tilespmem:s18+$0xC30 ss:$0x41] =	vst.msk $0xffff, v6;
	v0 =	vld [tilespmem:s17+$0x30]  }
.LBB1_3:
0x40: {  	p1 =	sne.s32 s21, $0xFC;
	v5 =	vld [tilespmem:s17+$0xFFFFFFD0];
	[tilespmem:s18+$0x1040 ss:$0x41] =	vst.msk $0xffff, v4  }
0x41: {  	v6 =	vld [tilespmem:s17+$0xFFFFFFE0];
	[tilespmem:s18+$0x1450 ss:$0x41] =	vst.msk $0xffff, v3  }
0x42: {  	s22 =	sshra.s32 s20, $0x2;
	s20 =	smov.u32 s21;
	v7 =	vld [tilespmem:s17+$0xFFFFFFF0];
	[tilespmem:s18+$0x1860 ss:$0x41] =	vst.msk $0xffff, v2  }
.Ltmp3:
0x43: {  	v4 =	vld [tilespmem:s17+$0x0];
	[tilespmem:s18+$0x0 ss:$0x41] =	vst.msk $0xffff, v1;
	s18 =	sadd.s32 s22, s19;
	(pc) =	sbr.rel @p1 .LBB1_3-.Ltmp3, $4  }
0x44: {  	v3 =	vld [tilespmem:s17+$0x10];
	[tilespmem:s18+$0x1C70 ss:$0x41] =	vst.msk $0xffff, v0  }
0x45: {  	[tilespmem:s18+$0x410 ss:$0x41] =	vst.msk $0xffff, v5;
	v2 =	vld [tilespmem:s17+$0x20]  }
0x46: {  	v1 =	vld [tilespmem:s17+$0xFFFFFFC0];
	[tilespmem:s18+$0x820 ss:$0x41] =	vst.msk $0xffff, v6;
	s17 =	sadd.s32 $0x80, s17  }
0x47: {  	s21 =	sadd.s32 $0x4, s21;
	v0 =	vld [tilespmem:s17+$0x30];
	[tilespmem:s18+$0xC30 ss:$0x41] =	vst.msk $0xffff, v7  }
0x48: {  	s21 =	sshll.u32 s9, $0x7;
	s22 =	sshll.u32 s10, $0x3;
	s20 =	sshra.s32 s20, $0x2  }
0x49: {  	p1 =	sgt.s32 s9, $0xF41C0;
	s30 =	sshra.s32 s9, $0x1F;
	s25 =	sshra.s32 s10, $0x1F  }
0x4a: {  	v5 =	vld [tilespmem:s17+$0xFFFFFFD0];
	s28 =	sshrl.u32 s10, $0x3;
	s23 =	sand.u32 $0xFFFFFC00, s21;
	s22 =	sand.u32 $0xFFFFFC00, s22  }
0x4b: {  	[tilespmem:s18+$0x1040 ss:$0x41] =	vst.msk $0xffff, v4;
	v58 =	vld [tilespmem:s17+$0xFFFFFFE0];
	s21 =	sand.u32 $0x380, s21;
	s19 =	sadd.s32 s20, s19;
	s22 =	sadd.s32 s22, s23  }
0x4c: {  	v59 =	vld [tilespmem:s17+$0xFFFFFFF0];
	[tilespmem:s18+$0x1450 ss:$0x41] =	vst.msk $0xffff, v3;
	s29 =	sor.u32 s21, s22;
	s21 =	smov.u32 s9;
	s22 =	sand.u32 s30, s9  }
0x4d: {  	v60 =	vld [tilespmem:s17+$0x0];
	[tilespmem:s18+$0x1860 ss:$0x41] =	vst.msk $0xffff, v2;
	s30 =	sand.u32 $0x7, s10;
	s20 =	sshrl.u32 s29, $0x7;
	s21 =	simm.s32 @!p1 $0xF41C0  }
0x4e: {  	v61 =	vld [tilespmem:s17+$0x10];
	[tilespmem:s18+$0x0 ss:$0x41] =	vst.msk $0xffff, v1;
	p1 =	sgt.s32 s10, $0x40;
	s24 =	ssub.s32 s21, s22;
	s21 =	smov.u32 s10  }
0x4f: {  	v62 =	vld [tilespmem:s17+$0x20];
	[tilespmem:s19+$0x1C70 ss:$0x41] =	vst.msk $0xffff, v0;
	s31 =	smulhi.u32 $0x218DEF5, s20;
	s22 =	sand.u32 s25, s10;
	s21 =	simm.s32 @!p1 $0x40  }
0x50: {  	v63 =	vld [tilespmem:s17+$0xFFFFFFC0];
	[tilespmem:s19+$0x410 ss:$0x41] =	vst.msk $0xffff, v5;
	s26 =	sadd.s32 $0xFFF0BE40, s24;
	s17 =	ssub.s32 $0xF4240, s24;
	s21 =	ssub.s32 s21, s22  }
0x51: {  	[tilespmem:s19+$0x820 ss:$0x41] =	vst.msk $0xffff, v58;
	s23 =	sshrl.u32 s31, $0xD;
	p1 =	sgt.s32 s26, $0x7F;
	s27 =	sadd.s32 $0xFFFFFFC0, s21  }
0x52: {  	[tilespmem:s19+$0xC30 ss:$0x41] =	vst.msk $0xffff, v59;
	s23 =	smul.u32 $0xF4240, s23;
	s18 =	ssub.s32 $0x80, s21;
	p2 =	sgt.s32 s27, $0x3F  }
.Ltmp4:
0x53: {  	[tilespmem:s19+$0x1040 ss:$0x41] =	vst.msk $0xffff, v60;
	s17 =	simm.s32 @p1 $0x0;
	s18 =	simm.s32 @p2 $0x0;
	(pc) =	sbr.rel .LBB1_5-.Ltmp4, $4  }
0x54: {  	s29 =	sand.u32 $0xF, s28;
	[tilespmem:s19+$0x1450 ss:$0x41] =	vst.msk $0xffff, v61;
	s20 =	ssub.s32 s20, s23;
	s17 =	smul.u32 s18, s17  }
0x55: {  	[tilespmem:s19+$0x1860 ss:$0x41] =	vst.msk $0xffff, v62;
	s21 =	sshll.u32 s30, $0x12;
	s20 =	sshll.u32 s20, $0x4;
	s18 =	sadd.s32 s5, s29  }
0x56: {  	[tilespmem:s19+$0x0 ss:$0x41] =	vst.msk $0xffff, v63;
	s31 =	sor.u32 $0x40, s21;
	s18 =	sadd.s32 s20, s18;
	s17 =	sand.u32 $0x3FFFFFFF, s17  }
0x57: {  	[hbm4b:s18+s31] =	stream.strided.scatter [tilespmem:s16], [sflag:$0x2], s17, s8, s31, $0x18;
	[tilespmem:$0x8100] =	vst v63  }
.LBB1_6:
0x58: {  	_ =	sfence.sel $0x180000  }
0x59: {  	s2 =	simm.s32 $0x1;
	[bflag:$0x0] =	sbarrier.arrive $0xFFFF  }
0x5a: {  	s31 =	simm.s32 $0x2;
	[sflag:s2] =	ssyncpa.u1 $0x1  }
0x5b: {  	[sflag:s31] =	ssyncpa.u1 $0x1  }
0x5c: {  	p0 =	sne.s32 s1, $0x0;
	_ =	strace $0x90000047  }
0x5d: {  	s0 =	sadd.s32 @!p0 $0x100000, s0;
	[bflag:$0x2] =	sbarrier.arrive $0xFFFF  }
0x5e: {  	[sflag:s0] =	ssyncadd.tile.s32 @!p0 $0x1;
	_ =	shalt  }
.Lfunc_end1:
_tile_overlayer_lowered:
.L_overlay_start_2:
0x5f: {  	(tag) =	ssettag $0x2  }
0x60: {  	s0 =	rddreg [dreg:$0x0];
	s2 =	stileid.u32  }
0x61: {  	s1 =	rddreg [dreg:$0x1];
	p0 =	sne.s32 s2, $0x0  }
0x62: {  	s3 =	rddreg [dreg:$0x2];
	[bflag:$0x3] =	sbarrier.arrive $0xFFFF;
	s2 =	simm.s32 @!p0 $0x1C01  }
0x63: {  	[timem:s3], [sflag:s2] =	dma.local @!p0 [hbm:s0], s1  }
0x64: {  	s0 =	simm.s32 @!p0 $0x1  }
0x65: {  	_ =	swait.ge @!p0 [sflag:s0], s1  }
0x66: {  	s1 =	ssub.s32 @!p0 $0x0, s1;
	[sflag:s0] =	ssyncset.done @!p0 $0x0  }
0x67: {  	[sflag:s0] =	ssyncadd.s32 @!p0 s1  }
0x68: {  	[bflag:$0x3] =	sbarrier.arrive $0xFFFF  }
0x69: {  	_ =	shalt  }

</sc_bundles>
